<compile_context>
chip_gen: v7x
topology: tpu7x:2x2x1
jax: 0.10.2.dev20260603
libtpu: 0.0.44.dev20260713+nightly
codegen_flags: <defaults>
</compile_context>

<pallas_src>
import functools

import jax
import jax.numpy as jnp
from jax import lax
from jax.experimental import pallas as pl
from jax.experimental.pallas import tpu as pltpu
from jax.experimental.pallas import tpu_sc as plsc

N = 10000
NP = 10240
D = 256
H = 128
E = 160000
NC, NS, L = 2, 16, 16
NW = NC * NS
CHA = 112
NCHA = 45
EPT_A = CHA * NCHA
EA = NW * EPT_A
EPT_B = E // NS
CH = 100
NCHUNK = EPT_B // CH
CPS = 20
NSB = NCHUNK // CPS
ROWS_PT = NP // NS

_mesh = plsc.VectorSubcoreMesh(
    core_axis_name="c", subcore_axis_name="s", num_cores=NC, num_subcores=NS)


@functools.partial(
    pl.kernel,
    out_type=jax.ShapeDtypeStruct((NC, NP, L), jnp.float32),
    mesh=_mesh,
    scratch_types=[
        pltpu.VMEM((NCHA, CHA), jnp.int32),
        pltpu.VMEM((NCHA * CHA,), jnp.float32),
        pltpu.VMEM((CHA, L), jnp.float32),
        pltpu.VMEM_SHARED((NP, L), jnp.float32),
    ],
    compiler_params=pltpu.CompilerParams(needs_layout_passes=False),
)
def _deg_kernel(dst_hbm, w_hbm, out_hbm, dst_v, w_v, wide, deg_sh):
    cid = lax.axis_index("c")
    sid = lax.axis_index("s")
    wid = sid * NC + cid
    pltpu.sync_copy(dst_hbm.at[wid], dst_v)
    pltpu.sync_copy(w_hbm.at[wid], w_v)
    zero = jnp.zeros((L,), jnp.float32)

    def zrow(r, carry):
        wide[r] = zero
        return carry

    lax.fori_loop(0, CHA, zrow, None)
    off = 0
    while off < ROWS_PT:
        rows = min(CHA, ROWS_PT - off)
        pltpu.sync_copy(wide.at[pl.ds(0, rows)],
                        deg_sh.at[pl.ds(sid * ROWS_PT + off, rows)])
        off += rows
    plsc.subcore_barrier()

    def chunk(c, carry):
        def fill(e, inner):
            wv = plsc.load_gather(w_v, [jnp.full((L,), c * CHA + e, jnp.int32)])
            wide[e] = wv
            return inner

        lax.fori_loop(0, CHA, fill, None, unroll=7)
        pltpu.sync_copy(wide, deg_sh.at[dst_v.at[c]], add=True)
        return carry

    lax.fori_loop(0, NCHA, chunk, None)
    plsc.subcore_barrier()
    pltpu.sync_copy(deg_sh.at[pl.ds(sid * ROWS_PT, ROWS_PT)],
                    out_hbm.at[cid, pl.ds(sid * ROWS_PT, ROWS_PT)])


def _prologue_body(w_ref, wih_ref, b_ref, degp_ref, x_ref, yt_ref, dis_ref):
    gates = lax.dot_general(
        w_ref[...], wih_ref[...], (((1,), (1,)), ((), ())),
        preferred_element_type=jnp.float32) + b_ref[...]
    i_ = jax.nn.sigmoid(gates[:, 0 * D:1 * D])
    g_ = jnp.tanh(gates[:, 2 * D:3 * D])
    o_ = jax.nn.sigmoid(gates[:, 3 * D:4 * D])
    w_ev = o_ * jnp.tanh(i_ * g_)
    deg = degp_ref[0, :, 0:1] + degp_ref[1, :, 0:1] + 2.0
    dis = lax.rsqrt(deg)
    dis_ref[...] = dis
    xs = x_ref[...] * dis
    yt_ref[0] = jnp.dot(xs, w_ev[:, :H], preferred_element_type=jnp.float32)
    yt_ref[1] = jnp.dot(xs, w_ev[:, H:], preferred_element_type=jnp.float32)


@functools.partial(
    pl.kernel,
    out_type=jax.ShapeDtypeStruct((NC, NP, H), jnp.float32),
    mesh=_mesh,
    scratch_types=[
        pltpu.VMEM((CPS, CH), jnp.int32),
        pltpu.VMEM((CPS, CH), jnp.int32),
        pltpu.VMEM((CPS * CH,), jnp.float32),
        pltpu.VMEM((CH, H), jnp.float32),
        pltpu.VMEM((CH, H), jnp.float32),
        pltpu.VMEM_SHARED((NP, H), jnp.float32),
        pltpu.SemaphoreType.DMA,
        pltpu.SemaphoreType.DMA,
        pltpu.SemaphoreType.DMA,
        pltpu.SemaphoreType.DMA,
    ],
    compiler_params=pltpu.CompilerParams(needs_layout_passes=False),
)
def _spmm_kernel(y0, y1, srcs, dsts, ws, out_hbm,
                 src_v, dst_v, w_v, buf_a, buf_b, agg_sh,
                 gsem_a, gsem_b, ssem_a, ssem_b):
    cid = lax.axis_index("c")
    sid = lax.axis_index("s")

    zero = jnp.zeros((L,), jnp.float32)

    def zrow(r, carry):
        for j in range(H // L):
            buf_a[r, pl.ds(j * L, L)] = zero
        return carry

    lax.fori_loop(0, CH, zrow, None)
    off = 0
    while off < ROWS_PT:
        rows = min(CH, ROWS_PT - off)
        pltpu.sync_copy(buf_a.at[pl.ds(0, rows)],
                        agg_sh.at[pl.ds(sid * ROWS_PT + off, rows)])
        off += rows
    plsc.subcore_barrier()

    def sblock(sb, carry):
        pltpu.sync_copy(srcs.at[sid, sb], src_v)
        pltpu.sync_copy(dsts.at[sid, sb], dst_v)
        pltpu.sync_copy(ws.at[sid, sb], w_v)

        def chunk(c, carry2):
            @pl.when(cid == 0)
            def _g0():
                pltpu.sync_copy(y0.at[src_v.at[c]], buf_a)

            @pl.when(cid == 1)
            def _g1():
                pltpu.sync_copy(y1.at[src_v.at[c]], buf_a)

            def scale(e, inner):
                wv = plsc.load_gather(
                    w_v, [jnp.full((L,), c * CH + e, jnp.int32)])
                for j in range(H // L):
                    buf_a[e, pl.ds(j * L, L)] = buf_a[e, pl.ds(j * L, L)] * wv
                return inner

            lax.fori_loop(0, CH, scale, None, unroll=5)
            pltpu.sync_copy(buf_a, agg_sh.at[dst_v.at[c]], add=True)
            return carry2

        lax.fori_loop(0, CPS, chunk, None)
        return carry

    lax.fori_loop(0, NSB, sblock, None)
    plsc.subcore_barrier()
    pltpu.sync_copy(agg_sh.at[pl.ds(sid * ROWS_PT, ROWS_PT)],
                    out_hbm.at[cid, pl.ds(sid * ROWS_PT, ROWS_PT)])


def _epilogue_body(agg_ref, yt_ref, dis_ref, bias_ref, lw_ref, lb_ref, out_ref):
    disf = dis_ref[...]
    h0 = jnp.maximum(
        disf * agg_ref[0] + (2.0 * disf) * yt_ref[0] + bias_ref[0:1, :], 0.0)
    h1 = jnp.maximum(
        disf * agg_ref[1] + (2.0 * disf) * yt_ref[1] + bias_ref[1:2, :], 0.0)
    h = jnp.concatenate([h0, h1], axis=1)
    out = jnp.dot(h, lw_ref[...], preferred_element_type=jnp.float32)
    out_ref[...] = out[:, 0:1] + lb_ref[0, 0]


def kernel(x, edge_index, edge_weight, W, conv_bias,
           lstm_w_ih, lstm_w_hh, lstm_b_ih, lstm_b_hh, lin_w, lin_b):
    src = edge_index[0].astype(jnp.int32)
    dst = edge_index[1].astype(jnp.int32)
    ew = edge_weight.astype(jnp.float32)
    x_p = jnp.pad(x, ((0, NP - N), (0, 0)))

    dst_a = jnp.full((EA,), N, jnp.int32).at[:E].set(dst)
    ew_a = jnp.zeros((EA,), jnp.float32).at[:E].set(ew)
    deg_parts = _deg_kernel(dst_a.reshape(NW, NCHA, CHA),
                            ew_a.reshape(NW, NCHA * CHA))

    b = (lstm_b_ih + lstm_b_hh).reshape(1, 4 * D)
    yt, dis = pl.pallas_call(
        _prologue_body,
        out_shape=[
            jax.ShapeDtypeStruct((2, NP, H), jnp.float32),
            jax.ShapeDtypeStruct((NP, 1), jnp.float32),
        ],
    )(W, lstm_w_ih, b, deg_parts, x_p)

    agg = _spmm_kernel(yt[0], yt[1],
                       src.reshape(NS, NSB, CPS, CH),
                       dst.reshape(NS, NSB, CPS, CH),
                       ew.reshape(NS, NSB, CPS * CH))

    out = pl.pallas_call(
        _epilogue_body,
        out_shape=jax.ShapeDtypeStruct((NP, 1), jnp.float32),
    )(agg, yt, dis, conv_bias.reshape(2, H),
      jnp.zeros((D, H), jnp.float32).at[:, 0].set(lin_w[0]),
      lin_b.reshape(1, 1))
    return out[:N]

# --- scband reference (transcript-rebuilt; emitter-appended) ---
"""Pipeline reference for scband-temporal-gnnengland-covid-evolve-gcno-51247549775954 (READ-ONLY COPY).

The authoritative reference and input builder live on the scoring server;
editing this copy changes nothing except your own understanding.
"""

import jax, jax.numpy as jnp
import numpy as np

D = 256
N = 10000
E = 160000

def setup_inputs(seed: int = 0) -> dict:
    key = jax.random.key(seed)
    ks = jax.random.split(key, 12)
    x = jax.random.normal(ks[0], (N, D), dtype=jnp.float32)
    edge_index = jax.random.randint(ks[1], (2, E), 0, N, dtype=jnp.int64)
    edge_weight = jax.random.uniform(ks[2], (E,), dtype=jnp.float32)
    s = 1.0 / np.sqrt(D)
    # GCNConv fixed weight (to be evolved by LSTM) and bias
    W = jax.random.uniform(ks[3], (D, D), minval=-s, maxval=s, dtype=jnp.float32)
    conv_bias = jax.random.uniform(ks[4], (D,), minval=-s, maxval=s, dtype=jnp.float32)
    # LSTM(input_size=D, hidden_size=D) params, torch layout [4D, D] gates order i,f,g,o
    lstm_w_ih = jax.random.uniform(ks[5], (4 * D, D), minval=-s, maxval=s, dtype=jnp.float32)
    lstm_w_hh = jax.random.uniform(ks[6], (4 * D, D), minval=-s, maxval=s, dtype=jnp.float32)
    lstm_b_ih = jax.random.uniform(ks[7], (4 * D,), minval=-s, maxval=s, dtype=jnp.float32)
    lstm_b_hh = jax.random.uniform(ks[8], (4 * D,), minval=-s, maxval=s, dtype=jnp.float32)
    # final Linear(D, 1)
    lin_w = jax.random.uniform(ks[9], (1, D), minval=-s, maxval=s, dtype=jnp.float32)
    lin_b = jax.random.uniform(ks[10], (1,), minval=-s, maxval=s, dtype=jnp.float32)
    return {"x": x, "edge_index": edge_index, "edge_weight": edge_weight,
            "W": W, "conv_bias": conv_bias,
            "lstm_w_ih": lstm_w_ih, "lstm_w_hh": lstm_w_hh,
            "lstm_b_ih": lstm_b_ih, "lstm_b_hh": lstm_b_hh,
            "lin_w": lin_w, "lin_b": lin_b}

def reference(x, edge_index, edge_weight, W, conv_bias,
              lstm_w_ih, lstm_w_hh, lstm_b_ih, lstm_b_hh, lin_w, lin_b):
    d = W.shape[0]
    # --- EvolveGCNO: evolve GCN weight with single-step LSTM (seq_len=1, batch=d, zero init states) ---
    gates = W @ lstm_w_ih.T + lstm_b_ih + lstm_b_hh  # h0 = 0 so W_hh term vanishes
    i, f, g, o = jnp.split(gates, 4, axis=1)
    i = jax.nn.sigmoid(i)
    f = jax.nn.sigmoid(f)
    g = jnp.tanh(g)
    o = jax.nn.sigmoid(o)
    c = i * g  # c0 = 0
    W_evolved = o * jnp.tanh(c)  # [d, d]
    # --- GCNConv with fixed (evolved) W, improved=True (self-loop fill 2.0), normalize=True ---
    n = x.shape[0]
    src = edge_index[0]
    dst = edge_index[1]
    fill = 2.0  # improved GCN
    deg = jnp.zeros((n,), dtype=x.dtype).at[dst].add(edge_weight) + fill
    deg_inv_sqrt = jnp.where(deg > 0, deg ** -0.5, 0.0)
    norm = deg_inv_sqrt[src] * edge_weight * deg_inv_sqrt[dst]
    xw = x @ W_evolved  # [n, d]
    agg = jnp.zeros_like(xw).at[dst].add(norm[:, None] * jnp.take(xw, src, axis=0))
    # self-loop contribution
    agg = agg + (deg_inv_sqrt * fill * deg_inv_sqrt)[:, None] * xw
    h = agg + conv_bias
    h = jax.nn.relu(h)
    out = h @ lin_w.T + lin_b  # [n, 1]
    return out

if __name__ == "__main__":
    import jax
    _d = setup_inputs()
    print(jax.jit(kernel)(*tuple(_d.values())))

</pallas_src>

<mosaic_0001>
#map = affine_map<(d0, d1) -> (0, 0, 0)>
#map1 = affine_map<(d0, d1) -> (0, 0)>
module attributes {stable_mosaic.version = 14 : i64} {
  func.func @_deg_kernel(%arg0: i32, %arg1: i32, %arg2: memref<32x45x112xi32, #tpu.memory_space<hbm>>, %arg3: memref<32x5040xf32, #tpu.memory_space<hbm>>, %arg4: memref<2x10240x16xf32, #tpu.memory_space<hbm>>, %arg5: memref<45x112xi32, #tpu.memory_space<vmem>>, %arg6: memref<5040xf32, #tpu.memory_space<vmem>>, %arg7: memref<112x16xf32, #tpu.memory_space<vmem>>, %arg8: memref<10240x16xf32, #tpu.memory_space<vmem_shared>>) attributes {dimension_semantics = [#tpu.dimension_semantics<core_parallel>, #tpu.dimension_semantics<subcore_parallel>], iteration_bounds = array<i64: 2, 16>, scalar_prefetch = 0 : i64, scratch_operands = 4 : i64, tpu.core_type = #tpu.core_type<sc_vector_subcore>, window_params = [{transform_indices = #map}, {transform_indices = #map1}, {transform_indices = #map}]} {
    %mul3A = arith.constant 2 : i32
    %mul3A_0 = arith.muli %arg1, %mul3A : i32
    %add3A = arith.addi %mul3A_0, %arg0 : i32
    "tpu.region"() ({
      %run_scoped3A = tpu.sem_alloc : memref<!tpu.dma_semaphore, #tpu.memory_space<semaphore_mem>>
      %dma_start3A = arith.constant 0 : i32
      %dma_start3A_40 = arith.constant 0 : i32
      %dma_start3A_41 = tpu.memref_slice %arg2[%add3A, %dma_start3A, %dma_start3A_40] : memref<32x45x112xi32, #tpu.memory_space<hbm>> -> memref<1x45x112xi32, #tpu.memory_space<hbm>>
      %dma_start3A_42 = tpu.memref_squeeze %dma_start3A_41 : memref<1x45x112xi32, #tpu.memory_space<hbm>> -> memref<45x112xi32, #tpu.memory_space<hbm>>
      %dma_start3A_43 = arith.constant 0 : i32
      %dma_start3A_44 = arith.constant 0 : i32
      %dma_start3A_45 = tpu.memref_slice %arg2[%add3A, %dma_start3A_43, %dma_start3A_44] : memref<32x45x112xi32, #tpu.memory_space<hbm>> -> memref<1x45x112xi32, #tpu.memory_space<hbm>>
      %dma_start3A_46 = tpu.memref_squeeze %dma_start3A_45 : memref<1x45x112xi32, #tpu.memory_space<hbm>> -> memref<45x112xi32, #tpu.memory_space<hbm>>
      tpu.enqueue_dma source(%dma_start3A_46 : memref<45x112xi32, #tpu.memory_space<hbm>>) target(%arg5 : memref<45x112xi32, #tpu.memory_space<vmem>>) target_semaphore(%run_scoped3A : memref<!tpu.dma_semaphore, #tpu.memory_space<semaphore_mem>>)
      %dma_wait3A = arith.constant 0 : i32
      %dma_wait3A_47 = arith.constant 0 : i32
      %dma_wait3A_48 = tpu.memref_slice %arg2[%add3A, %dma_wait3A, %dma_wait3A_47] : memref<32x45x112xi32, #tpu.memory_space<hbm>> -> memref<1x45x112xi32, #tpu.memory_space<hbm>>
      %dma_wait3A_49 = tpu.memref_squeeze %dma_wait3A_48 : memref<1x45x112xi32, #tpu.memory_space<hbm>> -> memref<45x112xi32, #tpu.memory_space<hbm>>
      %dma_wait3A_50 = arith.constant 0 : i32
      %dma_wait3A_51 = arith.constant 0 : i32
      %dma_wait3A_52 = tpu.memref_slice %arg2[%add3A, %dma_wait3A_50, %dma_wait3A_51] : memref<32x45x112xi32, #tpu.memory_space<hbm>> -> memref<1x45x112xi32, #tpu.memory_space<hbm>>
      %dma_wait3A_53 = tpu.memref_squeeze %dma_wait3A_52 : memref<1x45x112xi32, #tpu.memory_space<hbm>> -> memref<45x112xi32, #tpu.memory_space<hbm>>
      tpu.wait_dma2 semaphore(%run_scoped3A : memref<!tpu.dma_semaphore, #tpu.memory_space<semaphore_mem>>) src(%dma_wait3A_53 : memref<45x112xi32, #tpu.memory_space<hbm>>) dst(%arg5 : memref<45x112xi32, #tpu.memory_space<vmem>>)
      tpu.yield
    }) : () -> ()
    "tpu.region"() ({
      %run_scoped3A = tpu.sem_alloc : memref<!tpu.dma_semaphore, #tpu.memory_space<semaphore_mem>>
      %dma_start3A = arith.constant 0 : i32
      %dma_start3A_40 = tpu.memref_slice %arg3[%add3A, %dma_start3A] : memref<32x5040xf32, #tpu.memory_space<hbm>> -> memref<1x5040xf32, #tpu.memory_space<hbm>>
      %dma_start3A_41 = tpu.memref_squeeze %dma_start3A_40 : memref<1x5040xf32, #tpu.memory_space<hbm>> -> memref<5040xf32, #tpu.memory_space<hbm>>
      %dma_start3A_42 = arith.constant 0 : i32
      %dma_start3A_43 = tpu.memref_slice %arg3[%add3A, %dma_start3A_42] : memref<32x5040xf32, #tpu.memory_space<hbm>> -> memref<1x5040xf32, #tpu.memory_space<hbm>>
      %dma_start3A_44 = tpu.memref_squeeze %dma_start3A_43 : memref<1x5040xf32, #tpu.memory_space<hbm>> -> memref<5040xf32, #tpu.memory_space<hbm>>
      tpu.enqueue_dma source(%dma_start3A_44 : memref<5040xf32, #tpu.memory_space<hbm>>) target(%arg6 : memref<5040xf32, #tpu.memory_space<vmem>>) target_semaphore(%run_scoped3A : memref<!tpu.dma_semaphore, #tpu.memory_space<semaphore_mem>>)
      %dma_wait3A = arith.constant 0 : i32
      %dma_wait3A_45 = tpu.memref_slice %arg3[%add3A, %dma_wait3A] : memref<32x5040xf32, #tpu.memory_space<hbm>> -> memref<1x5040xf32, #tpu.memory_space<hbm>>
      %dma_wait3A_46 = tpu.memref_squeeze %dma_wait3A_45 : memref<1x5040xf32, #tpu.memory_space<hbm>> -> memref<5040xf32, #tpu.memory_space<hbm>>
      %dma_wait3A_47 = arith.constant 0 : i32
      %dma_wait3A_48 = tpu.memref_slice %arg3[%add3A, %dma_wait3A_47] : memref<32x5040xf32, #tpu.memory_space<hbm>> -> memref<1x5040xf32, #tpu.memory_space<hbm>>
      %dma_wait3A_49 = tpu.memref_squeeze %dma_wait3A_48 : memref<1x5040xf32, #tpu.memory_space<hbm>> -> memref<5040xf32, #tpu.memory_space<hbm>>
      tpu.wait_dma2 semaphore(%run_scoped3A : memref<!tpu.dma_semaphore, #tpu.memory_space<semaphore_mem>>) src(%dma_wait3A_49 : memref<5040xf32, #tpu.memory_space<hbm>>) dst(%arg6 : memref<5040xf32, #tpu.memory_space<vmem>>)
      tpu.yield
    }) : () -> ()
    %broadcast_in_dim3A = arith.constant 0.000000e+00 : f32
    %broadcast_in_dim3A_1 = vector.broadcast %broadcast_in_dim3A : f32 to vector<16xf32>
    %scan3A = arith.constant 0 : i32
    %scan3A_2 = arith.constant 112 : i32
    %scan3A_3 = arith.addi %scan3A, %scan3A_2 : i32
    %scan3A_4 = arith.constant 1 : i32
    scf.for %scan3A_40 = %scan3A to %scan3A_3 step %scan3A_4  : i32 {
      %swap3A = arith.index_cast %scan3A_40 : i32 to index
      %swap3A_41 = arith.constant 0 : index
      %swap3A_42 = tpu.vector_load %arg7[%swap3A, %swap3A_41] {strides = array<i32>} : memref<112x16xf32, #tpu.memory_space<vmem>>, vector<16xf32>,
      tpu.vector_store %arg7[%swap3A, %swap3A_41], %broadcast_in_dim3A_1 {strides = array<i32>} : memref<112x16xf32, #tpu.memory_space<vmem>>, vector<16xf32>,
    }
    %scan3A_5 = arith.constant 112 : i32
    %mul3A_6 = arith.constant 640 : i32
    %mul3A_7 = arith.muli %arg1, %mul3A_6 : i32
    %add3A_8 = arith.constant 0 : i32
    %add3A_9 = arith.addi %mul3A_7, %add3A_8 : i32
    "tpu.region"() ({
      %run_scoped3A = tpu.sem_alloc : memref<!tpu.dma_semaphore, #tpu.memory_space<semaphore_mem>>
      %dma_start3A = arith.constant 0 : i32
      %dma_start3A_40 = arith.constant 0 : i32
      %dma_start3A_41 = tpu.memref_slice %arg7[%dma_start3A, %dma_start3A_40] : memref<112x16xf32, #tpu.memory_space<vmem>> -> memref<112x16xf32, #tpu.memory_space<vmem>>
      %dma_start3A_42 = arith.constant 0 : i32
      %dma_start3A_43 = tpu.memref_slice %arg8[%add3A_9, %dma_start3A_42] : memref<10240x16xf32, #tpu.memory_space<vmem_shared>> -> memref<112x16xf32, #tpu.memory_space<vmem_shared>>
      %dma_start3A_44 = arith.constant 0 : i32
      %dma_start3A_45 = tpu.memref_slice %arg8[%add3A_9, %dma_start3A_44] : memref<10240x16xf32, #tpu.memory_space<vmem_shared>> -> memref<112x16xf32, #tpu.memory_space<vmem_shared>>
      %dma_start3A_46 = arith.constant 0 : i32
      %dma_start3A_47 = arith.constant 0 : i32
      %dma_start3A_48 = tpu.memref_slice %arg7[%dma_start3A_46, %dma_start3A_47] : memref<112x16xf32, #tpu.memory_space<vmem>> -> memref<112x16xf32, #tpu.memory_space<vmem>>
      tpu.enqueue_dma source(%dma_start3A_48 : memref<112x16xf32, #tpu.memory_space<vmem>>) target(%dma_start3A_45 : memref<112x16xf32, #tpu.memory_space<vmem_shared>>) target_semaphore(%run_scoped3A : memref<!tpu.dma_semaphore, #tpu.memory_space<semaphore_mem>>)
      %dma_wait3A = arith.constant 0 : i32
      %dma_wait3A_49 = arith.constant 0 : i32
      %dma_wait3A_50 = tpu.memref_slice %arg7[%dma_wait3A, %dma_wait3A_49] : memref<112x16xf32, #tpu.memory_space<vmem>> -> memref<112x16xf32, #tpu.memory_space<vmem>>
      %dma_wait3A_51 = arith.constant 0 : i32
      %dma_wait3A_52 = tpu.memref_slice %arg8[%add3A_9, %dma_wait3A_51] : memref<10240x16xf32, #tpu.memory_space<vmem_shared>> -> memref<112x16xf32, #tpu.memory_space<vmem_shared>>
      %dma_wait3A_53 = arith.constant 0 : i32
      %dma_wait3A_54 = tpu.memref_slice %arg8[%add3A_9, %dma_wait3A_53] : memref<10240x16xf32, #tpu.memory_space<vmem_shared>> -> memref<112x16xf32, #tpu.memory_space<vmem_shared>>
      %dma_wait3A_55 = arith.constant 0 : i32
      %dma_wait3A_56 = arith.constant 0 : i32
      %dma_wait3A_57 = tpu.memref_slice %arg7[%dma_wait3A_55, %dma_wait3A_56] : memref<112x16xf32, #tpu.memory_space<vmem>> -> memref<112x16xf32, #tpu.memory_space<vmem>>
      tpu.wait_dma2 semaphore(%run_scoped3A : memref<!tpu.dma_semaphore, #tpu.memory_space<semaphore_mem>>) src(%dma_wait3A_57 : memref<112x16xf32, #tpu.memory_space<vmem>>) dst(%dma_wait3A_54 : memref<112x16xf32, #tpu.memory_space<vmem_shared>>)
      tpu.yield
    }) : () -> ()
    %mul3A_10 = arith.constant 640 : i32
    %mul3A_11 = arith.muli %arg1, %mul3A_10 : i32
    %add3A_12 = arith.constant 112 : i32
    %add3A_13 = arith.addi %mul3A_11, %add3A_12 : i32
    "tpu.region"() ({
      %run_scoped3A = tpu.sem_alloc : memref<!tpu.dma_semaphore, #tpu.memory_space<semaphore_mem>>
      %dma_start3A = arith.constant 0 : i32
      %dma_start3A_40 = arith.constant 0 : i32
      %dma_start3A_41 = tpu.memref_slice %arg7[%dma_start3A, %dma_start3A_40] : memref<112x16xf32, #tpu.memory_space<vmem>> -> memref<112x16xf32, #tpu.memory_space<vmem>>
      %dma_start3A_42 = arith.constant 0 : i32
      %dma_start3A_43 = tpu.memref_slice %arg8[%add3A_13, %dma_start3A_42] : memref<10240x16xf32, #tpu.memory_space<vmem_shared>> -> memref<112x16xf32, #tpu.memory_space<vmem_shared>>
      %dma_start3A_44 = arith.constant 0 : i32
      %dma_start3A_45 = tpu.memref_slice %arg8[%add3A_13, %dma_start3A_44] : memref<10240x16xf32, #tpu.memory_space<vmem_shared>> -> memref<112x16xf32, #tpu.memory_space<vmem_shared>>
      %dma_start3A_46 = arith.constant 0 : i32
      %dma_start3A_47 = arith.constant 0 : i32
      %dma_start3A_48 = tpu.memref_slice %arg7[%dma_start3A_46, %dma_start3A_47] : memref<112x16xf32, #tpu.memory_space<vmem>> -> memref<112x16xf32, #tpu.memory_space<vmem>>
      tpu.enqueue_dma source(%dma_start3A_48 : memref<112x16xf32, #tpu.memory_space<vmem>>) target(%dma_start3A_45 : memref<112x16xf32, #tpu.memory_space<vmem_shared>>) target_semaphore(%run_scoped3A : memref<!tpu.dma_semaphore, #tpu.memory_space<semaphore_mem>>)
      %dma_wait3A = arith.constant 0 : i32
      %dma_wait3A_49 = arith.constant 0 : i32
      %dma_wait3A_50 = tpu.memref_slice %arg7[%dma_wait3A, %dma_wait3A_49] : memref<112x16xf32, #tpu.memory_space<vmem>> -> memref<112x16xf32, #tpu.memory_space<vmem>>
      %dma_wait3A_51 = arith.constant 0 : i32
      %dma_wait3A_52 = tpu.memref_slice %arg8[%add3A_13, %dma_wait3A_51] : memref<10240x16xf32, #tpu.memory_space<vmem_shared>> -> memref<112x16xf32, #tpu.memory_space<vmem_shared>>
      %dma_wait3A_53 = arith.constant 0 : i32
      %dma_wait3A_54 = tpu.memref_slice %arg8[%add3A_13, %dma_wait3A_53] : memref<10240x16xf32, #tpu.memory_space<vmem_shared>> -> memref<112x16xf32, #tpu.memory_space<vmem_shared>>
      %dma_wait3A_55 = arith.constant 0 : i32
      %dma_wait3A_56 = arith.constant 0 : i32
      %dma_wait3A_57 = tpu.memref_slice %arg7[%dma_wait3A_55, %dma_wait3A_56] : memref<112x16xf32, #tpu.memory_space<vmem>> -> memref<112x16xf32, #tpu.memory_space<vmem>>
      tpu.wait_dma2 semaphore(%run_scoped3A : memref<!tpu.dma_semaphore, #tpu.memory_space<semaphore_mem>>) src(%dma_wait3A_57 : memref<112x16xf32, #tpu.memory_space<vmem>>) dst(%dma_wait3A_54 : memref<112x16xf32, #tpu.memory_space<vmem_shared>>)
      tpu.yield
    }) : () -> ()
    %mul3A_14 = arith.constant 640 : i32
    %mul3A_15 = arith.muli %arg1, %mul3A_14 : i32
    %add3A_16 = arith.constant 224 : i32
    %add3A_17 = arith.addi %mul3A_15, %add3A_16 : i32
    "tpu.region"() ({
      %run_scoped3A = tpu.sem_alloc : memref<!tpu.dma_semaphore, #tpu.memory_space<semaphore_mem>>
      %dma_start3A = arith.constant 0 : i32
      %dma_start3A_40 = arith.constant 0 : i32
      %dma_start3A_41 = tpu.memref_slice %arg7[%dma_start3A, %dma_start3A_40] : memref<112x16xf32, #tpu.memory_space<vmem>> -> memref<112x16xf32, #tpu.memory_space<vmem>>
      %dma_start3A_42 = arith.constant 0 : i32
      %dma_start3A_43 = tpu.memref_slice %arg8[%add3A_17, %dma_start3A_42] : memref<10240x16xf32, #tpu.memory_space<vmem_shared>> -> memref<112x16xf32, #tpu.memory_space<vmem_shared>>
      %dma_start3A_44 = arith.constant 0 : i32
      %dma_start3A_45 = tpu.memref_slice %arg8[%add3A_17, %dma_start3A_44] : memref<10240x16xf32, #tpu.memory_space<vmem_shared>> -> memref<112x16xf32, #tpu.memory_space<vmem_shared>>
      %dma_start3A_46 = arith.constant 0 : i32
      %dma_start3A_47 = arith.constant 0 : i32
      %dma_start3A_48 = tpu.memref_slice %arg7[%dma_start3A_46, %dma_start3A_47] : memref<112x16xf32, #tpu.memory_space<vmem>> -> memref<112x16xf32, #tpu.memory_space<vmem>>
      tpu.enqueue_dma source(%dma_start3A_48 : memref<112x16xf32, #tpu.memory_space<vmem>>) target(%dma_start3A_45 : memref<112x16xf32, #tpu.memory_space<vmem_shared>>) target_semaphore(%run_scoped3A : memref<!tpu.dma_semaphore, #tpu.memory_space<semaphore_mem>>)
      %dma_wait3A = arith.constant 0 : i32
      %dma_wait3A_49 = arith.constant 0 : i32
      %dma_wait3A_50 = tpu.memref_slice %arg7[%dma_wait3A, %dma_wait3A_49] : memref<112x16xf32, #tpu.memory_space<vmem>> -> memref<112x16xf32, #tpu.memory_space<vmem>>
      %dma_wait3A_51 = arith.constant 0 : i32
      %dma_wait3A_52 = tpu.memref_slice %arg8[%add3A_17, %dma_wait3A_51] : memref<10240x16xf32, #tpu.memory_space<vmem_shared>> -> memref<112x16xf32, #tpu.memory_space<vmem_shared>>
      %dma_wait3A_53 = arith.constant 0 : i32
      %dma_wait3A_54 = tpu.memref_slice %arg8[%add3A_17, %dma_wait3A_53] : memref<10240x16xf32, #tpu.memory_space<vmem_shared>> -> memref<112x16xf32, #tpu.memory_space<vmem_shared>>
      %dma_wait3A_55 = arith.constant 0 : i32
      %dma_wait3A_56 = arith.constant 0 : i32
      %dma_wait3A_57 = tpu.memref_slice %arg7[%dma_wait3A_55, %dma_wait3A_56] : memref<112x16xf32, #tpu.memory_space<vmem>> -> memref<112x16xf32, #tpu.memory_space<vmem>>
      tpu.wait_dma2 semaphore(%run_scoped3A : memref<!tpu.dma_semaphore, #tpu.memory_space<semaphore_mem>>) src(%dma_wait3A_57 : memref<112x16xf32, #tpu.memory_space<vmem>>) dst(%dma_wait3A_54 : memref<112x16xf32, #tpu.memory_space<vmem_shared>>)
      tpu.yield
    }) : () -> ()
    %mul3A_18 = arith.constant 640 : i32
    %mul3A_19 = arith.muli %arg1, %mul3A_18 : i32
    %add3A_20 = arith.constant 336 : i32
    %add3A_21 = arith.addi %mul3A_19, %add3A_20 : i32
    "tpu.region"() ({
      %run_scoped3A = tpu.sem_alloc : memref<!tpu.dma_semaphore, #tpu.memory_space<semaphore_mem>>
      %dma_start3A = arith.constant 0 : i32
      %dma_start3A_40 = arith.constant 0 : i32
      %dma_start3A_41 = tpu.memref_slice %arg7[%dma_start3A, %dma_start3A_40] : memref<112x16xf32, #tpu.memory_space<vmem>> -> memref<112x16xf32, #tpu.memory_space<vmem>>
      %dma_start3A_42 = arith.constant 0 : i32
      %dma_start3A_43 = tpu.memref_slice %arg8[%add3A_21, %dma_start3A_42] : memref<10240x16xf32, #tpu.memory_space<vmem_shared>> -> memref<112x16xf32, #tpu.memory_space<vmem_shared>>
      %dma_start3A_44 = arith.constant 0 : i32
      %dma_start3A_45 = tpu.memref_slice %arg8[%add3A_21, %dma_start3A_44] : memref<10240x16xf32, #tpu.memory_space<vmem_shared>> -> memref<112x16xf32, #tpu.memory_space<vmem_shared>>
      %dma_start3A_46 = arith.constant 0 : i32
      %dma_start3A_47 = arith.constant 0 : i32
      %dma_start3A_48 = tpu.memref_slice %arg7[%dma_start3A_46, %dma_start3A_47] : memref<112x16xf32, #tpu.memory_space<vmem>> -> memref<112x16xf32, #tpu.memory_space<vmem>>
      tpu.enqueue_dma source(%dma_start3A_48 : memref<112x16xf32, #tpu.memory_space<vmem>>) target(%dma_start3A_45 : memref<112x16xf32, #tpu.memory_space<vmem_shared>>) target_semaphore(%run_scoped3A : memref<!tpu.dma_semaphore, #tpu.memory_space<semaphore_mem>>)
      %dma_wait3A = arith.constant 0 : i32
      %dma_wait3A_49 = arith.constant 0 : i32
      %dma_wait3A_50 = tpu.memref_slice %arg7[%dma_wait3A, %dma_wait3A_49] : memref<112x16xf32, #tpu.memory_space<vmem>> -> memref<112x16xf32, #tpu.memory_space<vmem>>
      %dma_wait3A_51 = arith.constant 0 : i32
      %dma_wait3A_52 = tpu.memref_slice %arg8[%add3A_21, %dma_wait3A_51] : memref<10240x16xf32, #tpu.memory_space<vmem_shared>> -> memref<112x16xf32, #tpu.memory_space<vmem_shared>>
      %dma_wait3A_53 = arith.constant 0 : i32
      %dma_wait3A_54 = tpu.memref_slice %arg8[%add3A_21, %dma_wait3A_53] : memref<10240x16xf32, #tpu.memory_space<vmem_shared>> -> memref<112x16xf32, #tpu.memory_space<vmem_shared>>
      %dma_wait3A_55 = arith.constant 0 : i32
      %dma_wait3A_56 = arith.constant 0 : i32
      %dma_wait3A_57 = tpu.memref_slice %arg7[%dma_wait3A_55, %dma_wait3A_56] : memref<112x16xf32, #tpu.memory_space<vmem>> -> memref<112x16xf32, #tpu.memory_space<vmem>>
      tpu.wait_dma2 semaphore(%run_scoped3A : memref<!tpu.dma_semaphore, #tpu.memory_space<semaphore_mem>>) src(%dma_wait3A_57 : memref<112x16xf32, #tpu.memory_space<vmem>>) dst(%dma_wait3A_54 : memref<112x16xf32, #tpu.memory_space<vmem_shared>>)
      tpu.yield
    }) : () -> ()
    %mul3A_22 = arith.constant 640 : i32
    %mul3A_23 = arith.muli %arg1, %mul3A_22 : i32
    %add3A_24 = arith.constant 448 : i32
    %add3A_25 = arith.addi %mul3A_23, %add3A_24 : i32
    "tpu.region"() ({
      %run_scoped3A = tpu.sem_alloc : memref<!tpu.dma_semaphore, #tpu.memory_space<semaphore_mem>>
      %dma_start3A = arith.constant 0 : i32
      %dma_start3A_40 = arith.constant 0 : i32
      %dma_start3A_41 = tpu.memref_slice %arg7[%dma_start3A, %dma_start3A_40] : memref<112x16xf32, #tpu.memory_space<vmem>> -> memref<112x16xf32, #tpu.memory_space<vmem>>
      %dma_start3A_42 = arith.constant 0 : i32
      %dma_start3A_43 = tpu.memref_slice %arg8[%add3A_25, %dma_start3A_42] : memref<10240x16xf32, #tpu.memory_space<vmem_shared>> -> memref<112x16xf32, #tpu.memory_space<vmem_shared>>
      %dma_start3A_44 = arith.constant 0 : i32
      %dma_start3A_45 = tpu.memref_slice %arg8[%add3A_25, %dma_start3A_44] : memref<10240x16xf32, #tpu.memory_space<vmem_shared>> -> memref<112x16xf32, #tpu.memory_space<vmem_shared>>
      %dma_start3A_46 = arith.constant 0 : i32
      %dma_start3A_47 = arith.constant 0 : i32
      %dma_start3A_48 = tpu.memref_slice %arg7[%dma_start3A_46, %dma_start3A_47] : memref<112x16xf32, #tpu.memory_space<vmem>> -> memref<112x16xf32, #tpu.memory_space<vmem>>
      tpu.enqueue_dma source(%dma_start3A_48 : memref<112x16xf32, #tpu.memory_space<vmem>>) target(%dma_start3A_45 : memref<112x16xf32, #tpu.memory_space<vmem_shared>>) target_semaphore(%run_scoped3A : memref<!tpu.dma_semaphore, #tpu.memory_space<semaphore_mem>>)
      %dma_wait3A = arith.constant 0 : i32
      %dma_wait3A_49 = arith.constant 0 : i32
      %dma_wait3A_50 = tpu.memref_slice %arg7[%dma_wait3A, %dma_wait3A_49] : memref<112x16xf32, #tpu.memory_space<vmem>> -> memref<112x16xf32, #tpu.memory_space<vmem>>
      %dma_wait3A_51 = arith.constant 0 : i32
      %dma_wait3A_52 = tpu.memref_slice %arg8[%add3A_25, %dma_wait3A_51] : memref<10240x16xf32, #tpu.memory_space<vmem_shared>> -> memref<112x16xf32, #tpu.memory_space<vmem_shared>>
      %dma_wait3A_53 = arith.constant 0 : i32
      %dma_wait3A_54 = tpu.memref_slice %arg8[%add3A_25, %dma_wait3A_53] : memref<10240x16xf32, #tpu.memory_space<vmem_shared>> -> memref<112x16xf32, #tpu.memory_space<vmem_shared>>
      %dma_wait3A_55 = arith.constant 0 : i32
      %dma_wait3A_56 = arith.constant 0 : i32
      %dma_wait3A_57 = tpu.memref_slice %arg7[%dma_wait3A_55, %dma_wait3A_56] : memref<112x16xf32, #tpu.memory_space<vmem>> -> memref<112x16xf32, #tpu.memory_space<vmem>>
      tpu.wait_dma2 semaphore(%run_scoped3A : memref<!tpu.dma_semaphore, #tpu.memory_space<semaphore_mem>>) src(%dma_wait3A_57 : memref<112x16xf32, #tpu.memory_space<vmem>>) dst(%dma_wait3A_54 : memref<112x16xf32, #tpu.memory_space<vmem_shared>>)
      tpu.yield
    }) : () -> ()
    %mul3A_26 = arith.constant 640 : i32
    %mul3A_27 = arith.muli %arg1, %mul3A_26 : i32
    %add3A_28 = arith.constant 560 : i32
    %add3A_29 = arith.addi %mul3A_27, %add3A_28 : i32
    "tpu.region"() ({
      %run_scoped3A = tpu.sem_alloc : memref<!tpu.dma_semaphore, #tpu.memory_space<semaphore_mem>>
      %dma_start3A = arith.constant 0 : i32
      %dma_start3A_40 = arith.constant 0 : i32
      %dma_start3A_41 = tpu.memref_slice %arg7[%dma_start3A, %dma_start3A_40] : memref<112x16xf32, #tpu.memory_space<vmem>> -> memref<80x16xf32, #tpu.memory_space<vmem>>
      %dma_start3A_42 = arith.constant 0 : i32
      %dma_start3A_43 = tpu.memref_slice %arg8[%add3A_29, %dma_start3A_42] : memref<10240x16xf32, #tpu.memory_space<vmem_shared>> -> memref<80x16xf32, #tpu.memory_space<vmem_shared>>
      %dma_start3A_44 = arith.constant 0 : i32
      %dma_start3A_45 = tpu.memref_slice %arg8[%add3A_29, %dma_start3A_44] : memref<10240x16xf32, #tpu.memory_space<vmem_shared>> -> memref<80x16xf32, #tpu.memory_space<vmem_shared>>
      %dma_start3A_46 = arith.constant 0 : i32
      %dma_start3A_47 = arith.constant 0 : i32
      %dma_start3A_48 = tpu.memref_slice %arg7[%dma_start3A_46, %dma_start3A_47] : memref<112x16xf32, #tpu.memory_space<vmem>> -> memref<80x16xf32, #tpu.memory_space<vmem>>
      tpu.enqueue_dma source(%dma_start3A_48 : memref<80x16xf32, #tpu.memory_space<vmem>>) target(%dma_start3A_45 : memref<80x16xf32, #tpu.memory_space<vmem_shared>>) target_semaphore(%run_scoped3A : memref<!tpu.dma_semaphore, #tpu.memory_space<semaphore_mem>>)
      %dma_wait3A = arith.constant 0 : i32
      %dma_wait3A_49 = arith.constant 0 : i32
      %dma_wait3A_50 = tpu.memref_slice %arg7[%dma_wait3A, %dma_wait3A_49] : memref<112x16xf32, #tpu.memory_space<vmem>> -> memref<80x16xf32, #tpu.memory_space<vmem>>
      %dma_wait3A_51 = arith.constant 0 : i32
      %dma_wait3A_52 = tpu.memref_slice %arg8[%add3A_29, %dma_wait3A_51] : memref<10240x16xf32, #tpu.memory_space<vmem_shared>> -> memref<80x16xf32, #tpu.memory_space<vmem_shared>>
      %dma_wait3A_53 = arith.constant 0 : i32
      %dma_wait3A_54 = tpu.memref_slice %arg8[%add3A_29, %dma_wait3A_53] : memref<10240x16xf32, #tpu.memory_space<vmem_shared>> -> memref<80x16xf32, #tpu.memory_space<vmem_shared>>
      %dma_wait3A_55 = arith.constant 0 : i32
      %dma_wait3A_56 = arith.constant 0 : i32
      %dma_wait3A_57 = tpu.memref_slice %arg7[%dma_wait3A_55, %dma_wait3A_56] : memref<112x16xf32, #tpu.memory_space<vmem>> -> memref<80x16xf32, #tpu.memory_space<vmem>>
      tpu.wait_dma2 semaphore(%run_scoped3A : memref<!tpu.dma_semaphore, #tpu.memory_space<semaphore_mem>>) src(%dma_wait3A_57 : memref<80x16xf32, #tpu.memory_space<vmem>>) dst(%dma_wait3A_54 : memref<80x16xf32, #tpu.memory_space<vmem_shared>>)
      tpu.yield
    }) : () -> ()
    %barrier3A = arith.constant 0 : index
    tpu.barrier barrier_id(%barrier3A)
    %scan3A_30 = arith.constant 0 : i32
    %scan3A_31 = arith.constant 45 : i32
    %scan3A_32 = arith.addi %scan3A_30, %scan3A_31 : i32
    %scan3A_33 = arith.constant 1 : i32
    scf.for %scan3A_40 = %scan3A_30 to %scan3A_32 step %scan3A_33  : i32 {
      %scan3A_41 = arith.constant 0 : i32
      %scan3A_42 = arith.constant 112 : i32
      %scan3A_43 = arith.addi %scan3A_41, %scan3A_42 : i32
      %scan3A_44 = arith.constant 7 : i32
      scf.for %scan3A_46 = %scan3A_41 to %scan3A_43 step %scan3A_44  : i32 {
        %mul3A_47 = arith.constant 112 : i32
        %mul3A_48 = arith.muli %scan3A_40, %mul3A_47 : i32
        %add3A_49 = arith.addi %mul3A_48, %scan3A_46 : i32
        %broadcast_in_dim3A_50 = vector.broadcast %add3A_49 : i32 to vector<16xi32>
        %gather3A = tpu.vector_load_idx %arg6[%broadcast_in_dim3A_50] : memref<5040xf32, #tpu.memory_space<vmem>>[vector<16xi32>], vector<16xf32>,
        %swap3A = arith.index_cast %scan3A_46 : i32 to index
        %swap3A_51 = arith.constant 0 : index
        %swap3A_52 = tpu.vector_load %arg7[%swap3A, %swap3A_51] {strides = array<i32>} : memref<112x16xf32, #tpu.memory_space<vmem>>, vector<16xf32>,
        tpu.vector_store %arg7[%swap3A, %swap3A_51], %gather3A {strides = array<i32>} : memref<112x16xf32, #tpu.memory_space<vmem>>, vector<16xf32>,
        %scan3A_53 = arith.constant 1 : i32
        %scan3A_54 = arith.addi %scan3A_46, %scan3A_53 : i32
        %mul3A_55 = arith.constant 112 : i32
        %mul3A_56 = arith.muli %scan3A_40, %mul3A_55 : i32
        %add3A_57 = arith.addi %mul3A_56, %scan3A_54 : i32
        %broadcast_in_dim3A_58 = vector.broadcast %add3A_57 : i32 to vector<16xi32>
        %gather3A_59 = tpu.vector_load_idx %arg6[%broadcast_in_dim3A_58] : memref<5040xf32, #tpu.memory_space<vmem>>[vector<16xi32>], vector<16xf32>,
        %swap3A_60 = arith.index_cast %scan3A_54 : i32 to index
        %swap3A_61 = arith.constant 0 : index
        %swap3A_62 = tpu.vector_load %arg7[%swap3A_60, %swap3A_61] {strides = array<i32>} : memref<112x16xf32, #tpu.memory_space<vmem>>, vector<16xf32>,
        tpu.vector_store %arg7[%swap3A_60, %swap3A_61], %gather3A_59 {strides = array<i32>} : memref<112x16xf32, #tpu.memory_space<vmem>>, vector<16xf32>,
        %scan3A_63 = arith.constant 2 : i32
        %scan3A_64 = arith.addi %scan3A_46, %scan3A_63 : i32
        %mul3A_65 = arith.constant 112 : i32
        %mul3A_66 = arith.muli %scan3A_40, %mul3A_65 : i32
        %add3A_67 = arith.addi %mul3A_66, %scan3A_64 : i32
        %broadcast_in_dim3A_68 = vector.broadcast %add3A_67 : i32 to vector<16xi32>
        %gather3A_69 = tpu.vector_load_idx %arg6[%broadcast_in_dim3A_68] : memref<5040xf32, #tpu.memory_space<vmem>>[vector<16xi32>], vector<16xf32>,
        %swap3A_70 = arith.index_cast %scan3A_64 : i32 to index
        %swap3A_71 = arith.constant 0 : index
        %swap3A_72 = tpu.vector_load %arg7[%swap3A_70, %swap3A_71] {strides = array<i32>} : memref<112x16xf32, #tpu.memory_space<vmem>>, vector<16xf32>,
        tpu.vector_store %arg7[%swap3A_70, %swap3A_71], %gather3A_69 {strides = array<i32>} : memref<112x16xf32, #tpu.memory_space<vmem>>, vector<16xf32>,
        %scan3A_73 = arith.constant 3 : i32
        %scan3A_74 = arith.addi %scan3A_46, %scan3A_73 : i32
        %mul3A_75 = arith.constant 112 : i32
        %mul3A_76 = arith.muli %scan3A_40, %mul3A_75 : i32
        %add3A_77 = arith.addi %mul3A_76, %scan3A_74 : i32
        %broadcast_in_dim3A_78 = vector.broadcast %add3A_77 : i32 to vector<16xi32>
        %gather3A_79 = tpu.vector_load_idx %arg6[%broadcast_in_dim3A_78] : memref<5040xf32, #tpu.memory_space<vmem>>[vector<16xi32>], vector<16xf32>,
        %swap3A_80 = arith.index_cast %scan3A_74 : i32 to index
        %swap3A_81 = arith.constant 0 : index
        %swap3A_82 = tpu.vector_load %arg7[%swap3A_80, %swap3A_81] {strides = array<i32>} : memref<112x16xf32, #tpu.memory_space<vmem>>, vector<16xf32>,
        tpu.vector_store %arg7[%swap3A_80, %swap3A_81], %gather3A_79 {strides = array<i32>} : memref<112x16xf32, #tpu.memory_space<vmem>>, vector<16xf32>,
        %scan3A_83 = arith.constant 4 : i32
        %scan3A_84 = arith.addi %scan3A_46, %scan3A_83 : i32
        %mul3A_85 = arith.constant 112 : i32
        %mul3A_86 = arith.muli %scan3A_40, %mul3A_85 : i32
        %add3A_87 = arith.addi %mul3A_86, %scan3A_84 : i32
        %broadcast_in_dim3A_88 = vector.broadcast %add3A_87 : i32 to vector<16xi32>
        %gather3A_89 = tpu.vector_load_idx %arg6[%broadcast_in_dim3A_88] : memref<5040xf32, #tpu.memory_space<vmem>>[vector<16xi32>], vector<16xf32>,
        %swap3A_90 = arith.index_cast %scan3A_84 : i32 to index
        %swap3A_91 = arith.constant 0 : index
        %swap3A_92 = tpu.vector_load %arg7[%swap3A_90, %swap3A_91] {strides = array<i32>} : memref<112x16xf32, #tpu.memory_space<vmem>>, vector<16xf32>,
        tpu.vector_store %arg7[%swap3A_90, %swap3A_91], %gather3A_89 {strides = array<i32>} : memref<112x16xf32, #tpu.memory_space<vmem>>, vector<16xf32>,
        %scan3A_93 = arith.constant 5 : i32
        %scan3A_94 = arith.addi %scan3A_46, %scan3A_93 : i32
        %mul3A_95 = arith.constant 112 : i32
        %mul3A_96 = arith.muli %scan3A_40, %mul3A_95 : i32
        %add3A_97 = arith.addi %mul3A_96, %scan3A_94 : i32
        %broadcast_in_dim3A_98 = vector.broadcast %add3A_97 : i32 to vector<16xi32>
        %gather3A_99 = tpu.vector_load_idx %arg6[%broadcast_in_dim3A_98] : memref<5040xf32, #tpu.memory_space<vmem>>[vector<16xi32>], vector<16xf32>,
        %swap3A_100 = arith.index_cast %scan3A_94 : i32 to index
        %swap3A_101 = arith.constant 0 : index
        %swap3A_102 = tpu.vector_load %arg7[%swap3A_100, %swap3A_101] {strides = array<i32>} : memref<112x16xf32, #tpu.memory_space<vmem>>, vector<16xf32>,
        tpu.vector_store %arg7[%swap3A_100, %swap3A_101], %gather3A_99 {strides = array<i32>} : memref<112x16xf32, #tpu.memory_space<vmem>>, vector<16xf32>,
        %scan3A_103 = arith.constant 6 : i32
        %scan3A_104 = arith.addi %scan3A_46, %scan3A_103 : i32
        %mul3A_105 = arith.constant 112 : i32
        %mul3A_106 = arith.muli %scan3A_40, %mul3A_105 : i32
        %add3A_107 = arith.addi %mul3A_106, %scan3A_104 : i32
        %broadcast_in_dim3A_108 = vector.broadcast %add3A_107 : i32 to vector<16xi32>
        %gather3A_109 = tpu.vector_load_idx %arg6[%broadcast_in_dim3A_108] : memref<5040xf32, #tpu.memory_space<vmem>>[vector<16xi32>], vector<16xf32>,
        %swap3A_110 = arith.index_cast %scan3A_104 : i32 to index
        %swap3A_111 = arith.constant 0 : index
        %swap3A_112 = tpu.vector_load %arg7[%swap3A_110, %swap3A_111] {strides = array<i32>} : memref<112x16xf32, #tpu.memory_space<vmem>>, vector<16xf32>,
        tpu.vector_store %arg7[%swap3A_110, %swap3A_111], %gather3A_109 {strides = array<i32>} : memref<112x16xf32, #tpu.memory_space<vmem>>, vector<16xf32>,
      }
      %scan3A_45 = arith.constant 112 : i32
      "tpu.region"() ({
        %run_scoped3A = tpu.sem_alloc : memref<!tpu.dma_semaphore, #tpu.memory_space<semaphore_mem>>
        %dma_start3A = arith.constant 0 : i32
        %dma_start3A_46 = tpu.memref_slice %arg5[%scan3A_40, %dma_start3A] : memref<45x112xi32, #tpu.memory_space<vmem>> -> memref<1x112xi32, #tpu.memory_space<vmem>>
        %dma_start3A_47 = tpu.memref_squeeze %dma_start3A_46 : memref<1x112xi32, #tpu.memory_space<vmem>> -> memref<112xi32, #tpu.memory_space<vmem>>
        %dma_start3A_48 = arith.constant 0 : i32
        %dma_start3A_49 = arith.constant 0 : i32
        %dma_start3A_50 = tpu.memref_slice %arg8[%dma_start3A_48, %dma_start3A_49] : memref<10240x16xf32, #tpu.memory_space<vmem_shared>> -> memref<10240x16xf32, #tpu.memory_space<vmem_shared>>
        tpu.enqueue_indirect_dma source(%arg7 : memref<112x16xf32, #tpu.memory_space<vmem>>) target(%dma_start3A_50 : memref<10240x16xf32, #tpu.memory_space<vmem_shared>>) offsets(%dma_start3A_47 : memref<112xi32, #tpu.memory_space<vmem>>) semaphore(%run_scoped3A : memref<!tpu.dma_semaphore, #tpu.memory_space<semaphore_mem>>) {add = true}
        %dma_wait3A = arith.constant 0 : i32
        %dma_wait3A_51 = tpu.memref_slice %arg5[%scan3A_40, %dma_wait3A] : memref<45x112xi32, #tpu.memory_space<vmem>> -> memref<1x112xi32, #tpu.memory_space<vmem>>
        %dma_wait3A_52 = tpu.memref_squeeze %dma_wait3A_51 : memref<1x112xi32, #tpu.memory_space<vmem>> -> memref<112xi32, #tpu.memory_space<vmem>>
        %dma_wait3A_53 = arith.constant 0 : i32
        %dma_wait3A_54 = arith.constant 0 : i32
        %dma_wait3A_55 = tpu.memref_slice %arg8[%dma_wait3A_53, %dma_wait3A_54] : memref<10240x16xf32, #tpu.memory_space<vmem_shared>> -> memref<10240x16xf32, #tpu.memory_space<vmem_shared>>
        tpu.wait_indirect_dma semaphore(%run_scoped3A : memref<!tpu.dma_semaphore, #tpu.memory_space<semaphore_mem>>) src(%arg7 : memref<112x16xf32, #tpu.memory_space<vmem>>) dst(%dma_wait3A_55 : memref<10240x16xf32, #tpu.memory_space<vmem_shared>>)
        tpu.yield
      }) : () -> ()
    }
    %scan3A_34 = arith.constant 45 : i32
    %barrier3A_35 = arith.constant 0 : index
    tpu.barrier barrier_id(%barrier3A_35)
    %mul3A_36 = arith.constant 640 : i32
    %mul3A_37 = arith.muli %arg1, %mul3A_36 : i32
    %mul3A_38 = arith.constant 640 : i32
    %mul3A_39 = arith.muli %arg1, %mul3A_38 : i32
    "tpu.region"() ({
      %run_scoped3A = tpu.sem_alloc : memref<!tpu.dma_semaphore, #tpu.memory_space<semaphore_mem>>
      %dma_start3A = arith.constant 0 : i32
      %dma_start3A_40 = tpu.memref_slice %arg4[%arg0, %mul3A_39, %dma_start3A] : memref<2x10240x16xf32, #tpu.memory_space<hbm>> -> memref<1x640x16xf32, #tpu.memory_space<hbm>>
      %dma_start3A_41 = tpu.memref_squeeze %dma_start3A_40 : memref<1x640x16xf32, #tpu.memory_space<hbm>> -> memref<640x16xf32, #tpu.memory_space<hbm>>
      %dma_start3A_42 = arith.constant 0 : i32
      %dma_start3A_43 = tpu.memref_slice %arg8[%mul3A_37, %dma_start3A_42] : memref<10240x16xf32, #tpu.memory_space<vmem_shared>> -> memref<640x16xf32, #tpu.memory_space<vmem_shared>>
      tpu.enqueue_dma source(%dma_start3A_43 : memref<640x16xf32, #tpu.memory_space<vmem_shared>>) target(%dma_start3A_41 : memref<640x16xf32, #tpu.memory_space<hbm>>) target_semaphore(%run_scoped3A : memref<!tpu.dma_semaphore, #tpu.memory_space<semaphore_mem>>)
      %dma_wait3A = arith.constant 0 : i32
      %dma_wait3A_44 = tpu.memref_slice %arg4[%arg0, %mul3A_39, %dma_wait3A] : memref<2x10240x16xf32, #tpu.memory_space<hbm>> -> memref<1x640x16xf32, #tpu.memory_space<hbm>>
      %dma_wait3A_45 = tpu.memref_squeeze %dma_wait3A_44 : memref<1x640x16xf32, #tpu.memory_space<hbm>> -> memref<640x16xf32, #tpu.memory_space<hbm>>
      %dma_wait3A_46 = arith.constant 0 : i32
      %dma_wait3A_47 = tpu.memref_slice %arg8[%mul3A_37, %dma_wait3A_46] : memref<10240x16xf32, #tpu.memory_space<vmem_shared>> -> memref<640x16xf32, #tpu.memory_space<vmem_shared>>
      tpu.wait_dma2 semaphore(%run_scoped3A : memref<!tpu.dma_semaphore, #tpu.memory_space<semaphore_mem>>) src(%dma_wait3A_47 : memref<640x16xf32, #tpu.memory_space<vmem_shared>>) dst(%dma_wait3A_45 : memref<640x16xf32, #tpu.memory_space<hbm>>)
      tpu.yield
    }) : () -> ()
    return
  }
}

#map = affine_map<(d0, d1) -> (0, 0)>
#map1 = affine_map<(d0, d1) -> (0, 0, 0, 0)>
#map2 = affine_map<(d0, d1) -> (0, 0, 0)>
module attributes {stable_mosaic.version = 14 : i64} {
  func.func @_spmm_kernel(%arg0: i32, %arg1: i32, %arg2: memref<10240x128xf32, #tpu.memory_space<hbm>>, %arg3: memref<10240x128xf32, #tpu.memory_space<hbm>>, %arg4: memref<16x5x20x100xi32, #tpu.memory_space<hbm>>, %arg5: memref<16x5x20x100xi32, #tpu.memory_space<hbm>>, %arg6: memref<16x5x2000xf32, #tpu.memory_space<hbm>>, %arg7: memref<2x10240x128xf32, #tpu.memory_space<hbm>>, %arg8: memref<20x100xi32, #tpu.memory_space<vmem>>, %arg9: memref<20x100xi32, #tpu.memory_space<vmem>>, %arg10: memref<2000xf32, #tpu.memory_space<vmem>>, %arg11: memref<100x128xf32, #tpu.memory_space<vmem>>, %arg12: memref<100x128xf32, #tpu.memory_space<vmem>>, %arg13: memref<10240x128xf32, #tpu.memory_space<vmem_shared>>, %arg14: memref<!tpu.dma_semaphore, #tpu.memory_space<semaphore_mem>>, %arg15: memref<!tpu.dma_semaphore, #tpu.memory_space<semaphore_mem>>, %arg16: memref<!tpu.dma_semaphore, #tpu.memory_space<semaphore_mem>>, %arg17: memref<!tpu.dma_semaphore, #tpu.memory_space<semaphore_mem>>) attributes {dimension_semantics = [#tpu.dimension_semantics<core_parallel>, #tpu.dimension_semantics<subcore_parallel>], iteration_bounds = array<i64: 2, 16>, scalar_prefetch = 0 : i64, scratch_operands = 10 : i64, tpu.core_type = #tpu.core_type<sc_vector_subcore>, window_params = [{transform_indices = #map}, {transform_indices = #map}, {transform_indices = #map1}, {transform_indices = #map1}, {transform_indices = #map2}, {transform_indices = #map2}]} {
    %broadcast_in_dim3A = arith.constant 0.000000e+00 : f32
    %broadcast_in_dim3A_0 = vector.broadcast %broadcast_in_dim3A : f32 to vector<16xf32>
    %scan3A = arith.constant 0 : i32
    %scan3A_1 = arith.constant 100 : i32
    %scan3A_2 = arith.addi %scan3A, %scan3A_1 : i32
    %scan3A_3 = arith.constant 1 : i32
    scf.for %scan3A_41 = %scan3A to %scan3A_2 step %scan3A_3  : i32 {
      %swap3A = arith.index_cast %scan3A_41 : i32 to index
      %swap3A_42 = arith.constant 0 : index
      %swap3A_43 = tpu.vector_load %arg11[%swap3A, %swap3A_42] {strides = array<i32>} : memref<100x128xf32, #tpu.memory_space<vmem>>, vector<16xf32>,
      tpu.vector_store %arg11[%swap3A, %swap3A_42], %broadcast_in_dim3A_0 {strides = array<i32>} : memref<100x128xf32, #tpu.memory_space<vmem>>, vector<16xf32>,
      %swap3A_44 = arith.index_cast %scan3A_41 : i32 to index
      %swap3A_45 = arith.constant 16 : index
      %swap3A_46 = tpu.vector_load %arg11[%swap3A_44, %swap3A_45] {strides = array<i32>} : memref<100x128xf32, #tpu.memory_space<vmem>>, vector<16xf32>,
      tpu.vector_store %arg11[%swap3A_44, %swap3A_45], %broadcast_in_dim3A_0 {strides = array<i32>} : memref<100x128xf32, #tpu.memory_space<vmem>>, vector<16xf32>,
      %swap3A_47 = arith.index_cast %scan3A_41 : i32 to index
      %swap3A_48 = arith.constant 32 : index
      %swap3A_49 = tpu.vector_load %arg11[%swap3A_47, %swap3A_48] {strides = array<i32>} : memref<100x128xf32, #tpu.memory_space<vmem>>, vector<16xf32>,
      tpu.vector_store %arg11[%swap3A_47, %swap3A_48], %broadcast_in_dim3A_0 {strides = array<i32>} : memref<100x128xf32, #tpu.memory_space<vmem>>, vector<16xf32>,
      %swap3A_50 = arith.index_cast %scan3A_41 : i32 to index
      %swap3A_51 = arith.constant 48 : index
      %swap3A_52 = tpu.vector_load %arg11[%swap3A_50, %swap3A_51] {strides = array<i32>} : memref<100x128xf32, #tpu.memory_space<vmem>>, vector<16xf32>,
      tpu.vector_store %arg11[%swap3A_50, %swap3A_51], %broadcast_in_dim3A_0 {strides = array<i32>} : memref<100x128xf32, #tpu.memory_space<vmem>>, vector<16xf32>,
      %swap3A_53 = arith.index_cast %scan3A_41 : i32 to index
      %swap3A_54 = arith.constant 64 : index
      %swap3A_55 = tpu.vector_load %arg11[%swap3A_53, %swap3A_54] {strides = array<i32>} : memref<100x128xf32, #tpu.memory_space<vmem>>, vector<16xf32>,
      tpu.vector_store %arg11[%swap3A_53, %swap3A_54], %broadcast_in_dim3A_0 {strides = array<i32>} : memref<100x128xf32, #tpu.memory_space<vmem>>, vector<16xf32>,
      %swap3A_56 = arith.index_cast %scan3A_41 : i32 to index
      %swap3A_57 = arith.constant 80 : index
      %swap3A_58 = tpu.vector_load %arg11[%swap3A_56, %swap3A_57] {strides = array<i32>} : memref<100x128xf32, #tpu.memory_space<vmem>>, vector<16xf32>,
      tpu.vector_store %arg11[%swap3A_56, %swap3A_57], %broadcast_in_dim3A_0 {strides = array<i32>} : memref<100x128xf32, #tpu.memory_space<vmem>>, vector<16xf32>,
      %swap3A_59 = arith.index_cast %scan3A_41 : i32 to index
      %swap3A_60 = arith.constant 96 : index
      %swap3A_61 = tpu.vector_load %arg11[%swap3A_59, %swap3A_60] {strides = array<i32>} : memref<100x128xf32, #tpu.memory_space<vmem>>, vector<16xf32>,
      tpu.vector_store %arg11[%swap3A_59, %swap3A_60], %broadcast_in_dim3A_0 {strides = array<i32>} : memref<100x128xf32, #tpu.memory_space<vmem>>, vector<16xf32>,
      %swap3A_62 = arith.index_cast %scan3A_41 : i32 to index
      %swap3A_63 = arith.constant 112 : index
      %swap3A_64 = tpu.vector_load %arg11[%swap3A_62, %swap3A_63] {strides = array<i32>} : memref<100x128xf32, #tpu.memory_space<vmem>>, vector<16xf32>,
      tpu.vector_store %arg11[%swap3A_62, %swap3A_63], %broadcast_in_dim3A_0 {strides = array<i32>} : memref<100x128xf32, #tpu.memory_space<vmem>>, vector<16xf32>,
    }
    %scan3A_4 = arith.constant 100 : i32
    %mul3A = arith.constant 640 : i32
    %mul3A_5 = arith.muli %arg1, %mul3A : i32
    %add3A = arith.constant 0 : i32
    %add3A_6 = arith.addi %mul3A_5, %add3A : i32
    "tpu.region"() ({
      %run_scoped3A = tpu.sem_alloc : memref<!tpu.dma_semaphore, #tpu.memory_space<semaphore_mem>>
      %dma_start3A = arith.constant 0 : i32
      %dma_start3A_41 = arith.constant 0 : i32
      %dma_start3A_42 = tpu.memref_slice %arg11[%dma_start3A, %dma_start3A_41] : memref<100x128xf32, #tpu.memory_space<vmem>> -> memref<100x128xf32, #tpu.memory_space<vmem>>
      %dma_start3A_43 = arith.constant 0 : i32
      %dma_start3A_44 = tpu.memref_slice %arg13[%add3A_6, %dma_start3A_43] : memref<10240x128xf32, #tpu.memory_space<vmem_shared>> -> memref<100x128xf32, #tpu.memory_space<vmem_shared>>
      %dma_start3A_45 = arith.constant 0 : i32
      %dma_start3A_46 = tpu.memref_slice %arg13[%add3A_6, %dma_start3A_45] : memref<10240x128xf32, #tpu.memory_space<vmem_shared>> -> memref<100x128xf32, #tpu.memory_space<vmem_shared>>
      %dma_start3A_47 = arith.constant 0 : i32
      %dma_start3A_48 = arith.constant 0 : i32
      %dma_start3A_49 = tpu.memref_slice %arg11[%dma_start3A_47, %dma_start3A_48] : memref<100x128xf32, #tpu.memory_space<vmem>> -> memref<100x128xf32, #tpu.memory_space<vmem>>
      tpu.enqueue_dma source(%dma_start3A_49 : memref<100x128xf32, #tpu.memory_space<vmem>>) target(%dma_start3A_46 : memref<100x128xf32, #tpu.memory_space<vmem_shared>>) target_semaphore(%run_scoped3A : memref<!tpu.dma_semaphore, #tpu.memory_space<semaphore_mem>>)
      %dma_wait3A = arith.constant 0 : i32
      %dma_wait3A_50 = arith.constant 0 : i32
      %dma_wait3A_51 = tpu.memref_slice %arg11[%dma_wait3A, %dma_wait3A_50] : memref<100x128xf32, #tpu.memory_space<vmem>> -> memref<100x128xf32, #tpu.memory_space<vmem>>
      %dma_wait3A_52 = arith.constant 0 : i32
      %dma_wait3A_53 = tpu.memref_slice %arg13[%add3A_6, %dma_wait3A_52] : memref<10240x128xf32, #tpu.memory_space<vmem_shared>> -> memref<100x128xf32, #tpu.memory_space<vmem_shared>>
      %dma_wait3A_54 = arith.constant 0 : i32
      %dma_wait3A_55 = tpu.memref_slice %arg13[%add3A_6, %dma_wait3A_54] : memref<10240x128xf32, #tpu.memory_space<vmem_shared>> -> memref<100x128xf32, #tpu.memory_space<vmem_shared>>
      %dma_wait3A_56 = arith.constant 0 : i32
      %dma_wait3A_57 = arith.constant 0 : i32
      %dma_wait3A_58 = tpu.memref_slice %arg11[%dma_wait3A_56, %dma_wait3A_57] : memref<100x128xf32, #tpu.memory_space<vmem>> -> memref<100x128xf32, #tpu.memory_space<vmem>>
      tpu.wait_dma2 semaphore(%run_scoped3A : memref<!tpu.dma_semaphore, #tpu.memory_space<semaphore_mem>>) src(%dma_wait3A_58 : memref<100x128xf32, #tpu.memory_space<vmem>>) dst(%dma_wait3A_55 : memref<100x128xf32, #tpu.memory_space<vmem_shared>>)
      tpu.yield
    }) : () -> ()
    %mul3A_7 = arith.constant 640 : i32
    %mul3A_8 = arith.muli %arg1, %mul3A_7 : i32
    %add3A_9 = arith.constant 100 : i32
    %add3A_10 = arith.addi %mul3A_8, %add3A_9 : i32
    "tpu.region"() ({
      %run_scoped3A = tpu.sem_alloc : memref<!tpu.dma_semaphore, #tpu.memory_space<semaphore_mem>>
      %dma_start3A = arith.constant 0 : i32
      %dma_start3A_41 = arith.constant 0 : i32
      %dma_start3A_42 = tpu.memref_slice %arg11[%dma_start3A, %dma_start3A_41] : memref<100x128xf32, #tpu.memory_space<vmem>> -> memref<100x128xf32, #tpu.memory_space<vmem>>
      %dma_start3A_43 = arith.constant 0 : i32
      %dma_start3A_44 = tpu.memref_slice %arg13[%add3A_10, %dma_start3A_43] : memref<10240x128xf32, #tpu.memory_space<vmem_shared>> -> memref<100x128xf32, #tpu.memory_space<vmem_shared>>
      %dma_start3A_45 = arith.constant 0 : i32
      %dma_start3A_46 = tpu.memref_slice %arg13[%add3A_10, %dma_start3A_45] : memref<10240x128xf32, #tpu.memory_space<vmem_shared>> -> memref<100x128xf32, #tpu.memory_space<vmem_shared>>
      %dma_start3A_47 = arith.constant 0 : i32
      %dma_start3A_48 = arith.constant 0 : i32
      %dma_start3A_49 = tpu.memref_slice %arg11[%dma_start3A_47, %dma_start3A_48] : memref<100x128xf32, #tpu.memory_space<vmem>> -> memref<100x128xf32, #tpu.memory_space<vmem>>
      tpu.enqueue_dma source(%dma_start3A_49 : memref<100x128xf32, #tpu.memory_space<vmem>>) target(%dma_start3A_46 : memref<100x128xf32, #tpu.memory_space<vmem_shared>>) target_semaphore(%run_scoped3A : memref<!tpu.dma_semaphore, #tpu.memory_space<semaphore_mem>>)
      %dma_wait3A = arith.constant 0 : i32
      %dma_wait3A_50 = arith.constant 0 : i32
      %dma_wait3A_51 = tpu.memref_slice %arg11[%dma_wait3A, %dma_wait3A_50] : memref<100x128xf32, #tpu.memory_space<vmem>> -> memref<100x128xf32, #tpu.memory_space<vmem>>
      %dma_wait3A_52 = arith.constant 0 : i32
      %dma_wait3A_53 = tpu.memref_slice %arg13[%add3A_10, %dma_wait3A_52] : memref<10240x128xf32, #tpu.memory_space<vmem_shared>> -> memref<100x128xf32, #tpu.memory_space<vmem_shared>>
      %dma_wait3A_54 = arith.constant 0 : i32
      %dma_wait3A_55 = tpu.memref_slice %arg13[%add3A_10, %dma_wait3A_54] : memref<10240x128xf32, #tpu.memory_space<vmem_shared>> -> memref<100x128xf32, #tpu.memory_space<vmem_shared>>
      %dma_wait3A_56 = arith.constant 0 : i32
      %dma_wait3A_57 = arith.constant 0 : i32
      %dma_wait3A_58 = tpu.memref_slice %arg11[%dma_wait3A_56, %dma_wait3A_57] : memref<100x128xf32, #tpu.memory_space<vmem>> -> memref<100x128xf32, #tpu.memory_space<vmem>>
      tpu.wait_dma2 semaphore(%run_scoped3A : memref<!tpu.dma_semaphore, #tpu.memory_space<semaphore_mem>>) src(%dma_wait3A_58 : memref<100x128xf32, #tpu.memory_space<vmem>>) dst(%dma_wait3A_55 : memref<100x128xf32, #tpu.memory_space<vmem_shared>>)
      tpu.yield
    }) : () -> ()
    %mul3A_11 = arith.constant 640 : i32
    %mul3A_12 = arith.muli %arg1, %mul3A_11 : i32
    %add3A_13 = arith.constant 200 : i32
    %add3A_14 = arith.addi %mul3A_12, %add3A_13 : i32
    "tpu.region"() ({
      %run_scoped3A = tpu.sem_alloc : memref<!tpu.dma_semaphore, #tpu.memory_space<semaphore_mem>>
      %dma_start3A = arith.constant 0 : i32
      %dma_start3A_41 = arith.constant 0 : i32
      %dma_start3A_42 = tpu.memref_slice %arg11[%dma_start3A, %dma_start3A_41] : memref<100x128xf32, #tpu.memory_space<vmem>> -> memref<100x128xf32, #tpu.memory_space<vmem>>
      %dma_start3A_43 = arith.constant 0 : i32
      %dma_start3A_44 = tpu.memref_slice %arg13[%add3A_14, %dma_start3A_43] : memref<10240x128xf32, #tpu.memory_space<vmem_shared>> -> memref<100x128xf32, #tpu.memory_space<vmem_shared>>
      %dma_start3A_45 = arith.constant 0 : i32
      %dma_start3A_46 = tpu.memref_slice %arg13[%add3A_14, %dma_start3A_45] : memref<10240x128xf32, #tpu.memory_space<vmem_shared>> -> memref<100x128xf32, #tpu.memory_space<vmem_shared>>
      %dma_start3A_47 = arith.constant 0 : i32
      %dma_start3A_48 = arith.constant 0 : i32
      %dma_start3A_49 = tpu.memref_slice %arg11[%dma_start3A_47, %dma_start3A_48] : memref<100x128xf32, #tpu.memory_space<vmem>> -> memref<100x128xf32, #tpu.memory_space<vmem>>
      tpu.enqueue_dma source(%dma_start3A_49 : memref<100x128xf32, #tpu.memory_space<vmem>>) target(%dma_start3A_46 : memref<100x128xf32, #tpu.memory_space<vmem_shared>>) target_semaphore(%run_scoped3A : memref<!tpu.dma_semaphore, #tpu.memory_space<semaphore_mem>>)
      %dma_wait3A = arith.constant 0 : i32
      %dma_wait3A_50 = arith.constant 0 : i32
      %dma_wait3A_51 = tpu.memref_slice %arg11[%dma_wait3A, %dma_wait3A_50] : memref<100x128xf32, #tpu.memory_space<vmem>> -> memref<100x128xf32, #tpu.memory_space<vmem>>
      %dma_wait3A_52 = arith.constant 0 : i32
      %dma_wait3A_53 = tpu.memref_slice %arg13[%add3A_14, %dma_wait3A_52] : memref<10240x128xf32, #tpu.memory_space<vmem_shared>> -> memref<100x128xf32, #tpu.memory_space<vmem_shared>>
      %dma_wait3A_54 = arith.constant 0 : i32
      %dma_wait3A_55 = tpu.memref_slice %arg13[%add3A_14, %dma_wait3A_54] : memref<10240x128xf32, #tpu.memory_space<vmem_shared>> -> memref<100x128xf32, #tpu.memory_space<vmem_shared>>
      %dma_wait3A_56 = arith.constant 0 : i32
      %dma_wait3A_57 = arith.constant 0 : i32
      %dma_wait3A_58 = tpu.memref_slice %arg11[%dma_wait3A_56, %dma_wait3A_57] : memref<100x128xf32, #tpu.memory_space<vmem>> -> memref<100x128xf32, #tpu.memory_space<vmem>>
      tpu.wait_dma2 semaphore(%run_scoped3A : memref<!tpu.dma_semaphore, #tpu.memory_space<semaphore_mem>>) src(%dma_wait3A_58 : memref<100x128xf32, #tpu.memory_space<vmem>>) dst(%dma_wait3A_55 : memref<100x128xf32, #tpu.memory_space<vmem_shared>>)
      tpu.yield
    }) : () -> ()
    %mul3A_15 = arith.constant 640 : i32
    %mul3A_16 = arith.muli %arg1, %mul3A_15 : i32
    %add3A_17 = arith.constant 300 : i32
    %add3A_18 = arith.addi %mul3A_16, %add3A_17 : i32
    "tpu.region"() ({
      %run_scoped3A = tpu.sem_alloc : memref<!tpu.dma_semaphore, #tpu.memory_space<semaphore_mem>>
      %dma_start3A = arith.constant 0 : i32
      %dma_start3A_41 = arith.constant 0 : i32
      %dma_start3A_42 = tpu.memref_slice %arg11[%dma_start3A, %dma_start3A_41] : memref<100x128xf32, #tpu.memory_space<vmem>> -> memref<100x128xf32, #tpu.memory_space<vmem>>
      %dma_start3A_43 = arith.constant 0 : i32
      %dma_start3A_44 = tpu.memref_slice %arg13[%add3A_18, %dma_start3A_43] : memref<10240x128xf32, #tpu.memory_space<vmem_shared>> -> memref<100x128xf32, #tpu.memory_space<vmem_shared>>
      %dma_start3A_45 = arith.constant 0 : i32
      %dma_start3A_46 = tpu.memref_slice %arg13[%add3A_18, %dma_start3A_45] : memref<10240x128xf32, #tpu.memory_space<vmem_shared>> -> memref<100x128xf32, #tpu.memory_space<vmem_shared>>
      %dma_start3A_47 = arith.constant 0 : i32
      %dma_start3A_48 = arith.constant 0 : i32
      %dma_start3A_49 = tpu.memref_slice %arg11[%dma_start3A_47, %dma_start3A_48] : memref<100x128xf32, #tpu.memory_space<vmem>> -> memref<100x128xf32, #tpu.memory_space<vmem>>
      tpu.enqueue_dma source(%dma_start3A_49 : memref<100x128xf32, #tpu.memory_space<vmem>>) target(%dma_start3A_46 : memref<100x128xf32, #tpu.memory_space<vmem_shared>>) target_semaphore(%run_scoped3A : memref<!tpu.dma_semaphore, #tpu.memory_space<semaphore_mem>>)
      %dma_wait3A = arith.constant 0 : i32
      %dma_wait3A_50 = arith.constant 0 : i32
      %dma_wait3A_51 = tpu.memref_slice %arg11[%dma_wait3A, %dma_wait3A_50] : memref<100x128xf32, #tpu.memory_space<vmem>> -> memref<100x128xf32, #tpu.memory_space<vmem>>
      %dma_wait3A_52 = arith.constant 0 : i32
      %dma_wait3A_53 = tpu.memref_slice %arg13[%add3A_18, %dma_wait3A_52] : memref<10240x128xf32, #tpu.memory_space<vmem_shared>> -> memref<100x128xf32, #tpu.memory_space<vmem_shared>>
      %dma_wait3A_54 = arith.constant 0 : i32
      %dma_wait3A_55 = tpu.memref_slice %arg13[%add3A_18, %dma_wait3A_54] : memref<10240x128xf32, #tpu.memory_space<vmem_shared>> -> memref<100x128xf32, #tpu.memory_space<vmem_shared>>
      %dma_wait3A_56 = arith.constant 0 : i32
      %dma_wait3A_57 = arith.constant 0 : i32
      %dma_wait3A_58 = tpu.memref_slice %arg11[%dma_wait3A_56, %dma_wait3A_57] : memref<100x128xf32, #tpu.memory_space<vmem>> -> memref<100x128xf32, #tpu.memory_space<vmem>>
      tpu.wait_dma2 semaphore(%run_scoped3A : memref<!tpu.dma_semaphore, #tpu.memory_space<semaphore_mem>>) src(%dma_wait3A_58 : memref<100x128xf32, #tpu.memory_space<vmem>>) dst(%dma_wait3A_55 : memref<100x128xf32, #tpu.memory_space<vmem_shared>>)
      tpu.yield
    }) : () -> ()
    %mul3A_19 = arith.constant 640 : i32
    %mul3A_20 = arith.muli %arg1, %mul3A_19 : i32
    %add3A_21 = arith.constant 400 : i32
    %add3A_22 = arith.addi %mul3A_20, %add3A_21 : i32
    "tpu.region"() ({
      %run_scoped3A = tpu.sem_alloc : memref<!tpu.dma_semaphore, #tpu.memory_space<semaphore_mem>>
      %dma_start3A = arith.constant 0 : i32
      %dma_start3A_41 = arith.constant 0 : i32
      %dma_start3A_42 = tpu.memref_slice %arg11[%dma_start3A, %dma_start3A_41] : memref<100x128xf32, #tpu.memory_space<vmem>> -> memref<100x128xf32, #tpu.memory_space<vmem>>
      %dma_start3A_43 = arith.constant 0 : i32
      %dma_start3A_44 = tpu.memref_slice %arg13[%add3A_22, %dma_start3A_43] : memref<10240x128xf32, #tpu.memory_space<vmem_shared>> -> memref<100x128xf32, #tpu.memory_space<vmem_shared>>
      %dma_start3A_45 = arith.constant 0 : i32
      %dma_start3A_46 = tpu.memref_slice %arg13[%add3A_22, %dma_start3A_45] : memref<10240x128xf32, #tpu.memory_space<vmem_shared>> -> memref<100x128xf32, #tpu.memory_space<vmem_shared>>
      %dma_start3A_47 = arith.constant 0 : i32
      %dma_start3A_48 = arith.constant 0 : i32
      %dma_start3A_49 = tpu.memref_slice %arg11[%dma_start3A_47, %dma_start3A_48] : memref<100x128xf32, #tpu.memory_space<vmem>> -> memref<100x128xf32, #tpu.memory_space<vmem>>
      tpu.enqueue_dma source(%dma_start3A_49 : memref<100x128xf32, #tpu.memory_space<vmem>>) target(%dma_start3A_46 : memref<100x128xf32, #tpu.memory_space<vmem_shared>>) target_semaphore(%run_scoped3A : memref<!tpu.dma_semaphore, #tpu.memory_space<semaphore_mem>>)
      %dma_wait3A = arith.constant 0 : i32
      %dma_wait3A_50 = arith.constant 0 : i32
      %dma_wait3A_51 = tpu.memref_slice %arg11[%dma_wait3A, %dma_wait3A_50] : memref<100x128xf32, #tpu.memory_space<vmem>> -> memref<100x128xf32, #tpu.memory_space<vmem>>
      %dma_wait3A_52 = arith.constant 0 : i32
      %dma_wait3A_53 = tpu.memref_slice %arg13[%add3A_22, %dma_wait3A_52] : memref<10240x128xf32, #tpu.memory_space<vmem_shared>> -> memref<100x128xf32, #tpu.memory_space<vmem_shared>>
      %dma_wait3A_54 = arith.constant 0 : i32
      %dma_wait3A_55 = tpu.memref_slice %arg13[%add3A_22, %dma_wait3A_54] : memref<10240x128xf32, #tpu.memory_space<vmem_shared>> -> memref<100x128xf32, #tpu.memory_space<vmem_shared>>
      %dma_wait3A_56 = arith.constant 0 : i32
      %dma_wait3A_57 = arith.constant 0 : i32
      %dma_wait3A_58 = tpu.memref_slice %arg11[%dma_wait3A_56, %dma_wait3A_57] : memref<100x128xf32, #tpu.memory_space<vmem>> -> memref<100x128xf32, #tpu.memory_space<vmem>>
      tpu.wait_dma2 semaphore(%run_scoped3A : memref<!tpu.dma_semaphore, #tpu.memory_space<semaphore_mem>>) src(%dma_wait3A_58 : memref<100x128xf32, #tpu.memory_space<vmem>>) dst(%dma_wait3A_55 : memref<100x128xf32, #tpu.memory_space<vmem_shared>>)
      tpu.yield
    }) : () -> ()
    %mul3A_23 = arith.constant 640 : i32
    %mul3A_24 = arith.muli %arg1, %mul3A_23 : i32
    %add3A_25 = arith.constant 500 : i32
    %add3A_26 = arith.addi %mul3A_24, %add3A_25 : i32
    "tpu.region"() ({
      %run_scoped3A = tpu.sem_alloc : memref<!tpu.dma_semaphore, #tpu.memory_space<semaphore_mem>>
      %dma_start3A = arith.constant 0 : i32
      %dma_start3A_41 = arith.constant 0 : i32
      %dma_start3A_42 = tpu.memref_slice %arg11[%dma_start3A, %dma_start3A_41] : memref<100x128xf32, #tpu.memory_space<vmem>> -> memref<100x128xf32, #tpu.memory_space<vmem>>
      %dma_start3A_43 = arith.constant 0 : i32
      %dma_start3A_44 = tpu.memref_slice %arg13[%add3A_26, %dma_start3A_43] : memref<10240x128xf32, #tpu.memory_space<vmem_shared>> -> memref<100x128xf32, #tpu.memory_space<vmem_shared>>
      %dma_start3A_45 = arith.constant 0 : i32
      %dma_start3A_46 = tpu.memref_slice %arg13[%add3A_26, %dma_start3A_45] : memref<10240x128xf32, #tpu.memory_space<vmem_shared>> -> memref<100x128xf32, #tpu.memory_space<vmem_shared>>
      %dma_start3A_47 = arith.constant 0 : i32
      %dma_start3A_48 = arith.constant 0 : i32
      %dma_start3A_49 = tpu.memref_slice %arg11[%dma_start3A_47, %dma_start3A_48] : memref<100x128xf32, #tpu.memory_space<vmem>> -> memref<100x128xf32, #tpu.memory_space<vmem>>
      tpu.enqueue_dma source(%dma_start3A_49 : memref<100x128xf32, #tpu.memory_space<vmem>>) target(%dma_start3A_46 : memref<100x128xf32, #tpu.memory_space<vmem_shared>>) target_semaphore(%run_scoped3A : memref<!tpu.dma_semaphore, #tpu.memory_space<semaphore_mem>>)
      %dma_wait3A = arith.constant 0 : i32
      %dma_wait3A_50 = arith.constant 0 : i32
      %dma_wait3A_51 = tpu.memref_slice %arg11[%dma_wait3A, %dma_wait3A_50] : memref<100x128xf32, #tpu.memory_space<vmem>> -> memref<100x128xf32, #tpu.memory_space<vmem>>
      %dma_wait3A_52 = arith.constant 0 : i32
      %dma_wait3A_53 = tpu.memref_slice %arg13[%add3A_26, %dma_wait3A_52] : memref<10240x128xf32, #tpu.memory_space<vmem_shared>> -> memref<100x128xf32, #tpu.memory_space<vmem_shared>>
      %dma_wait3A_54 = arith.constant 0 : i32
      %dma_wait3A_55 = tpu.memref_slice %arg13[%add3A_26, %dma_wait3A_54] : memref<10240x128xf32, #tpu.memory_space<vmem_shared>> -> memref<100x128xf32, #tpu.memory_space<vmem_shared>>
      %dma_wait3A_56 = arith.constant 0 : i32
      %dma_wait3A_57 = arith.constant 0 : i32
      %dma_wait3A_58 = tpu.memref_slice %arg11[%dma_wait3A_56, %dma_wait3A_57] : memref<100x128xf32, #tpu.memory_space<vmem>> -> memref<100x128xf32, #tpu.memory_space<vmem>>
      tpu.wait_dma2 semaphore(%run_scoped3A : memref<!tpu.dma_semaphore, #tpu.memory_space<semaphore_mem>>) src(%dma_wait3A_58 : memref<100x128xf32, #tpu.memory_space<vmem>>) dst(%dma_wait3A_55 : memref<100x128xf32, #tpu.memory_space<vmem_shared>>)
      tpu.yield
    }) : () -> ()
    %mul3A_27 = arith.constant 640 : i32
    %mul3A_28 = arith.muli %arg1, %mul3A_27 : i32
    %add3A_29 = arith.constant 600 : i32
    %add3A_30 = arith.addi %mul3A_28, %add3A_29 : i32
    "tpu.region"() ({
      %run_scoped3A = tpu.sem_alloc : memref<!tpu.dma_semaphore, #tpu.memory_space<semaphore_mem>>
      %dma_start3A = arith.constant 0 : i32
      %dma_start3A_41 = arith.constant 0 : i32
      %dma_start3A_42 = tpu.memref_slice %arg11[%dma_start3A, %dma_start3A_41] : memref<100x128xf32, #tpu.memory_space<vmem>> -> memref<40x128xf32, #tpu.memory_space<vmem>>
      %dma_start3A_43 = arith.constant 0 : i32
      %dma_start3A_44 = tpu.memref_slice %arg13[%add3A_30, %dma_start3A_43] : memref<10240x128xf32, #tpu.memory_space<vmem_shared>> -> memref<40x128xf32, #tpu.memory_space<vmem_shared>>
      %dma_start3A_45 = arith.constant 0 : i32
      %dma_start3A_46 = tpu.memref_slice %arg13[%add3A_30, %dma_start3A_45] : memref<10240x128xf32, #tpu.memory_space<vmem_shared>> -> memref<40x128xf32, #tpu.memory_space<vmem_shared>>
      %dma_start3A_47 = arith.constant 0 : i32
      %dma_start3A_48 = arith.constant 0 : i32
      %dma_start3A_49 = tpu.memref_slice %arg11[%dma_start3A_47, %dma_start3A_48] : memref<100x128xf32, #tpu.memory_space<vmem>> -> memref<40x128xf32, #tpu.memory_space<vmem>>
      tpu.enqueue_dma source(%dma_start3A_49 : memref<40x128xf32, #tpu.memory_space<vmem>>) target(%dma_start3A_46 : memref<40x128xf32, #tpu.memory_space<vmem_shared>>) target_semaphore(%run_scoped3A : memref<!tpu.dma_semaphore, #tpu.memory_space<semaphore_mem>>)
      %dma_wait3A = arith.constant 0 : i32
      %dma_wait3A_50 = arith.constant 0 : i32
      %dma_wait3A_51 = tpu.memref_slice %arg11[%dma_wait3A, %dma_wait3A_50] : memref<100x128xf32, #tpu.memory_space<vmem>> -> memref<40x128xf32, #tpu.memory_space<vmem>>
      %dma_wait3A_52 = arith.constant 0 : i32
      %dma_wait3A_53 = tpu.memref_slice %arg13[%add3A_30, %dma_wait3A_52] : memref<10240x128xf32, #tpu.memory_space<vmem_shared>> -> memref<40x128xf32, #tpu.memory_space<vmem_shared>>
      %dma_wait3A_54 = arith.constant 0 : i32
      %dma_wait3A_55 = tpu.memref_slice %arg13[%add3A_30, %dma_wait3A_54] : memref<10240x128xf32, #tpu.memory_space<vmem_shared>> -> memref<40x128xf32, #tpu.memory_space<vmem_shared>>
      %dma_wait3A_56 = arith.constant 0 : i32
      %dma_wait3A_57 = arith.constant 0 : i32
      %dma_wait3A_58 = tpu.memref_slice %arg11[%dma_wait3A_56, %dma_wait3A_57] : memref<100x128xf32, #tpu.memory_space<vmem>> -> memref<40x128xf32, #tpu.memory_space<vmem>>
      tpu.wait_dma2 semaphore(%run_scoped3A : memref<!tpu.dma_semaphore, #tpu.memory_space<semaphore_mem>>) src(%dma_wait3A_58 : memref<40x128xf32, #tpu.memory_space<vmem>>) dst(%dma_wait3A_55 : memref<40x128xf32, #tpu.memory_space<vmem_shared>>)
      tpu.yield
    }) : () -> ()
    %barrier3A = arith.constant 0 : index
    tpu.barrier barrier_id(%barrier3A)
    %scan3A_31 = arith.constant 0 : i32
    %scan3A_32 = arith.constant 5 : i32
    %scan3A_33 = arith.addi %scan3A_31, %scan3A_32 : i32
    %scan3A_34 = arith.constant 1 : i32
    scf.for %scan3A_41 = %scan3A_31 to %scan3A_33 step %scan3A_34  : i32 {
      "tpu.region"() ({
        %run_scoped3A = tpu.sem_alloc : memref<!tpu.dma_semaphore, #tpu.memory_space<semaphore_mem>>
        %dma_start3A = arith.constant 0 : i32
        %dma_start3A_47 = arith.constant 0 : i32
        %dma_start3A_48 = tpu.memref_slice %arg4[%arg1, %scan3A_41, %dma_start3A, %dma_start3A_47] : memref<16x5x20x100xi32, #tpu.memory_space<hbm>> -> memref<1x1x20x100xi32, #tpu.memory_space<hbm>>
        %dma_start3A_49 = tpu.memref_squeeze %dma_start3A_48 : memref<1x1x20x100xi32, #tpu.memory_space<hbm>> -> memref<20x100xi32, #tpu.memory_space<hbm>>
        %dma_start3A_50 = arith.constant 0 : i32
        %dma_start3A_51 = arith.constant 0 : i32
        %dma_start3A_52 = tpu.memref_slice %arg4[%arg1, %scan3A_41, %dma_start3A_50, %dma_start3A_51] : memref<16x5x20x100xi32, #tpu.memory_space<hbm>> -> memref<1x1x20x100xi32, #tpu.memory_space<hbm>>
        %dma_start3A_53 = tpu.memref_squeeze %dma_start3A_52 : memref<1x1x20x100xi32, #tpu.memory_space<hbm>> -> memref<20x100xi32, #tpu.memory_space<hbm>>
        tpu.enqueue_dma source(%dma_start3A_53 : memref<20x100xi32, #tpu.memory_space<hbm>>) target(%arg8 : memref<20x100xi32, #tpu.memory_space<vmem>>) target_semaphore(%run_scoped3A : memref<!tpu.dma_semaphore, #tpu.memory_space<semaphore_mem>>)
        %dma_wait3A = arith.constant 0 : i32
        %dma_wait3A_54 = arith.constant 0 : i32
        %dma_wait3A_55 = tpu.memref_slice %arg4[%arg1, %scan3A_41, %dma_wait3A, %dma_wait3A_54] : memref<16x5x20x100xi32, #tpu.memory_space<hbm>> -> memref<1x1x20x100xi32, #tpu.memory_space<hbm>>
        %dma_wait3A_56 = tpu.memref_squeeze %dma_wait3A_55 : memref<1x1x20x100xi32, #tpu.memory_space<hbm>> -> memref<20x100xi32, #tpu.memory_space<hbm>>
        %dma_wait3A_57 = arith.constant 0 : i32
        %dma_wait3A_58 = arith.constant 0 : i32
        %dma_wait3A_59 = tpu.memref_slice %arg4[%arg1, %scan3A_41, %dma_wait3A_57, %dma_wait3A_58] : memref<16x5x20x100xi32, #tpu.memory_space<hbm>> -> memref<1x1x20x100xi32, #tpu.memory_space<hbm>>
        %dma_wait3A_60 = tpu.memref_squeeze %dma_wait3A_59 : memref<1x1x20x100xi32, #tpu.memory_space<hbm>> -> memref<20x100xi32, #tpu.memory_space<hbm>>
        tpu.wait_dma2 semaphore(%run_scoped3A : memref<!tpu.dma_semaphore, #tpu.memory_space<semaphore_mem>>) src(%dma_wait3A_60 : memref<20x100xi32, #tpu.memory_space<hbm>>) dst(%arg8 : memref<20x100xi32, #tpu.memory_space<vmem>>)
        tpu.yield
      }) : () -> ()
      "tpu.region"() ({
        %run_scoped3A = tpu.sem_alloc : memref<!tpu.dma_semaphore, #tpu.memory_space<semaphore_mem>>
        %dma_start3A = arith.constant 0 : i32
        %dma_start3A_47 = arith.constant 0 : i32
        %dma_start3A_48 = tpu.memref_slice %arg5[%arg1, %scan3A_41, %dma_start3A, %dma_start3A_47] : memref<16x5x20x100xi32, #tpu.memory_space<hbm>> -> memref<1x1x20x100xi32, #tpu.memory_space<hbm>>
        %dma_start3A_49 = tpu.memref_squeeze %dma_start3A_48 : memref<1x1x20x100xi32, #tpu.memory_space<hbm>> -> memref<20x100xi32, #tpu.memory_space<hbm>>
        %dma_start3A_50 = arith.constant 0 : i32
        %dma_start3A_51 = arith.constant 0 : i32
        %dma_start3A_52 = tpu.memref_slice %arg5[%arg1, %scan3A_41, %dma_start3A_50, %dma_start3A_51] : memref<16x5x20x100xi32, #tpu.memory_space<hbm>> -> memref<1x1x20x100xi32, #tpu.memory_space<hbm>>
        %dma_start3A_53 = tpu.memref_squeeze %dma_start3A_52 : memref<1x1x20x100xi32, #tpu.memory_space<hbm>> -> memref<20x100xi32, #tpu.memory_space<hbm>>
        tpu.enqueue_dma source(%dma_start3A_53 : memref<20x100xi32, #tpu.memory_space<hbm>>) target(%arg9 : memref<20x100xi32, #tpu.memory_space<vmem>>) target_semaphore(%run_scoped3A : memref<!tpu.dma_semaphore, #tpu.memory_space<semaphore_mem>>)
        %dma_wait3A = arith.constant 0 : i32
        %dma_wait3A_54 = arith.constant 0 : i32
        %dma_wait3A_55 = tpu.memref_slice %arg5[%arg1, %scan3A_41, %dma_wait3A, %dma_wait3A_54] : memref<16x5x20x100xi32, #tpu.memory_space<hbm>> -> memref<1x1x20x100xi32, #tpu.memory_space<hbm>>
        %dma_wait3A_56 = tpu.memref_squeeze %dma_wait3A_55 : memref<1x1x20x100xi32, #tpu.memory_space<hbm>> -> memref<20x100xi32, #tpu.memory_space<hbm>>
        %dma_wait3A_57 = arith.constant 0 : i32
        %dma_wait3A_58 = arith.constant 0 : i32
        %dma_wait3A_59 = tpu.memref_slice %arg5[%arg1, %scan3A_41, %dma_wait3A_57, %dma_wait3A_58] : memref<16x5x20x100xi32, #tpu.memory_space<hbm>> -> memref<1x1x20x100xi32, #tpu.memory_space<hbm>>
        %dma_wait3A_60 = tpu.memref_squeeze %dma_wait3A_59 : memref<1x1x20x100xi32, #tpu.memory_space<hbm>> -> memref<20x100xi32, #tpu.memory_space<hbm>>
        tpu.wait_dma2 semaphore(%run_scoped3A : memref<!tpu.dma_semaphore, #tpu.memory_space<semaphore_mem>>) src(%dma_wait3A_60 : memref<20x100xi32, #tpu.memory_space<hbm>>) dst(%arg9 : memref<20x100xi32, #tpu.memory_space<vmem>>)
        tpu.yield
      }) : () -> ()
      "tpu.region"() ({
        %run_scoped3A = tpu.sem_alloc : memref<!tpu.dma_semaphore, #tpu.memory_space<semaphore_mem>>
        %dma_start3A = arith.constant 0 : i32
        %dma_start3A_47 = tpu.memref_slice %arg6[%arg1, %scan3A_41, %dma_start3A] : memref<16x5x2000xf32, #tpu.memory_space<hbm>> -> memref<1x1x2000xf32, #tpu.memory_space<hbm>>
        %dma_start3A_48 = tpu.memref_squeeze %dma_start3A_47 : memref<1x1x2000xf32, #tpu.memory_space<hbm>> -> memref<2000xf32, #tpu.memory_space<hbm>>
        %dma_start3A_49 = arith.constant 0 : i32
        %dma_start3A_50 = tpu.memref_slice %arg6[%arg1, %scan3A_41, %dma_start3A_49] : memref<16x5x2000xf32, #tpu.memory_space<hbm>> -> memref<1x1x2000xf32, #tpu.memory_space<hbm>>
        %dma_start3A_51 = tpu.memref_squeeze %dma_start3A_50 : memref<1x1x2000xf32, #tpu.memory_space<hbm>> -> memref<2000xf32, #tpu.memory_space<hbm>>
        tpu.enqueue_dma source(%dma_start3A_51 : memref<2000xf32, #tpu.memory_space<hbm>>) target(%arg10 : memref<2000xf32, #tpu.memory_space<vmem>>) target_semaphore(%run_scoped3A : memref<!tpu.dma_semaphore, #tpu.memory_space<semaphore_mem>>)
        %dma_wait3A = arith.constant 0 : i32
        %dma_wait3A_52 = tpu.memref_slice %arg6[%arg1, %scan3A_41, %dma_wait3A] : memref<16x5x2000xf32, #tpu.memory_space<hbm>> -> memref<1x1x2000xf32, #tpu.memory_space<hbm>>
        %dma_wait3A_53 = tpu.memref_squeeze %dma_wait3A_52 : memref<1x1x2000xf32, #tpu.memory_space<hbm>> -> memref<2000xf32, #tpu.memory_space<hbm>>
        %dma_wait3A_54 = arith.constant 0 : i32
        %dma_wait3A_55 = tpu.memref_slice %arg6[%arg1, %scan3A_41, %dma_wait3A_54] : memref<16x5x2000xf32, #tpu.memory_space<hbm>> -> memref<1x1x2000xf32, #tpu.memory_space<hbm>>
        %dma_wait3A_56 = tpu.memref_squeeze %dma_wait3A_55 : memref<1x1x2000xf32, #tpu.memory_space<hbm>> -> memref<2000xf32, #tpu.memory_space<hbm>>
        tpu.wait_dma2 semaphore(%run_scoped3A : memref<!tpu.dma_semaphore, #tpu.memory_space<semaphore_mem>>) src(%dma_wait3A_56 : memref<2000xf32, #tpu.memory_space<hbm>>) dst(%arg10 : memref<2000xf32, #tpu.memory_space<vmem>>)
        tpu.yield
      }) : () -> ()
      %scan3A_42 = arith.constant 0 : i32
      %scan3A_43 = arith.constant 20 : i32
      %scan3A_44 = arith.addi %scan3A_42, %scan3A_43 : i32
      %scan3A_45 = arith.constant 1 : i32
      scf.for %scan3A_47 = %scan3A_42 to %scan3A_44 step %scan3A_45  : i32 {
        %eq3A = arith.constant 0 : i32
        %eq3A_48 = arith.cmpi eq, %arg0, %eq3A : i32
        %convert_element_type3A = arith.extui %eq3A_48 : i1 to i32
        %cond3A = arith.constant 0 : i32
        %cond3A_49 = arith.cmpi ne, %convert_element_type3A, %cond3A : i32
        scf.if %cond3A_49 {
          "tpu.region"() ({
            %run_scoped3A = tpu.sem_alloc : memref<!tpu.dma_semaphore, #tpu.memory_space<semaphore_mem>>
            %dma_start3A = arith.constant 0 : i32
            %dma_start3A_60 = tpu.memref_slice %arg8[%scan3A_47, %dma_start3A] : memref<20x100xi32, #tpu.memory_space<vmem>> -> memref<1x100xi32, #tpu.memory_space<vmem>>
            %dma_start3A_61 = tpu.memref_squeeze %dma_start3A_60 : memref<1x100xi32, #tpu.memory_space<vmem>> -> memref<100xi32, #tpu.memory_space<vmem>>
            %dma_start3A_62 = arith.constant 0 : i32
            %dma_start3A_63 = arith.constant 0 : i32
            %dma_start3A_64 = tpu.memref_slice %arg2[%dma_start3A_62, %dma_start3A_63] : memref<10240x128xf32, #tpu.memory_space<hbm>> -> memref<10240x128xf32, #tpu.memory_space<hbm>>
            tpu.enqueue_indirect_dma source(%dma_start3A_64 : memref<10240x128xf32, #tpu.memory_space<hbm>>) target(%arg11 : memref<100x128xf32, #tpu.memory_space<vmem>>) offsets(%dma_start3A_61 : memref<100xi32, #tpu.memory_space<vmem>>) semaphore(%run_scoped3A : memref<!tpu.dma_semaphore, #tpu.memory_space<semaphore_mem>>)
            %dma_wait3A = arith.constant 0 : i32
            %dma_wait3A_65 = tpu.memref_slice %arg8[%scan3A_47, %dma_wait3A] : memref<20x100xi32, #tpu.memory_space<vmem>> -> memref<1x100xi32, #tpu.memory_space<vmem>>
            %dma_wait3A_66 = tpu.memref_squeeze %dma_wait3A_65 : memref<1x100xi32, #tpu.memory_space<vmem>> -> memref<100xi32, #tpu.memory_space<vmem>>
            %dma_wait3A_67 = arith.constant 0 : i32
            %dma_wait3A_68 = arith.constant 0 : i32
            %dma_wait3A_69 = tpu.memref_slice %arg2[%dma_wait3A_67, %dma_wait3A_68] : memref<10240x128xf32, #tpu.memory_space<hbm>> -> memref<10240x128xf32, #tpu.memory_space<hbm>>
            tpu.wait_indirect_dma semaphore(%run_scoped3A : memref<!tpu.dma_semaphore, #tpu.memory_space<semaphore_mem>>) src(%dma_wait3A_69 : memref<10240x128xf32, #tpu.memory_space<hbm>>) dst(%arg11 : memref<100x128xf32, #tpu.memory_space<vmem>>)
            tpu.yield
          }) : () -> ()
        } else {
        }
        %eq3A_50 = arith.constant 1 : i32
        %eq3A_51 = arith.cmpi eq, %arg0, %eq3A_50 : i32
        %convert_element_type3A_52 = arith.extui %eq3A_51 : i1 to i32
        %cond3A_53 = arith.constant 0 : i32
        %cond3A_54 = arith.cmpi ne, %convert_element_type3A_52, %cond3A_53 : i32
        scf.if %cond3A_54 {
          "tpu.region"() ({
            %run_scoped3A = tpu.sem_alloc : memref<!tpu.dma_semaphore, #tpu.memory_space<semaphore_mem>>
            %dma_start3A = arith.constant 0 : i32
            %dma_start3A_60 = tpu.memref_slice %arg8[%scan3A_47, %dma_start3A] : memref<20x100xi32, #tpu.memory_space<vmem>> -> memref<1x100xi32, #tpu.memory_space<vmem>>
            %dma_start3A_61 = tpu.memref_squeeze %dma_start3A_60 : memref<1x100xi32, #tpu.memory_space<vmem>> -> memref<100xi32, #tpu.memory_space<vmem>>
            %dma_start3A_62 = arith.constant 0 : i32
            %dma_start3A_63 = arith.constant 0 : i32
            %dma_start3A_64 = tpu.memref_slice %arg3[%dma_start3A_62, %dma_start3A_63] : memref<10240x128xf32, #tpu.memory_space<hbm>> -> memref<10240x128xf32, #tpu.memory_space<hbm>>
            tpu.enqueue_indirect_dma source(%dma_start3A_64 : memref<10240x128xf32, #tpu.memory_space<hbm>>) target(%arg11 : memref<100x128xf32, #tpu.memory_space<vmem>>) offsets(%dma_start3A_61 : memref<100xi32, #tpu.memory_space<vmem>>) semaphore(%run_scoped3A : memref<!tpu.dma_semaphore, #tpu.memory_space<semaphore_mem>>)
            %dma_wait3A = arith.constant 0 : i32
            %dma_wait3A_65 = tpu.memref_slice %arg8[%scan3A_47, %dma_wait3A] : memref<20x100xi32, #tpu.memory_space<vmem>> -> memref<1x100xi32, #tpu.memory_space<vmem>>
            %dma_wait3A_66 = tpu.memref_squeeze %dma_wait3A_65 : memref<1x100xi32, #tpu.memory_space<vmem>> -> memref<100xi32, #tpu.memory_space<vmem>>
            %dma_wait3A_67 = arith.constant 0 : i32
            %dma_wait3A_68 = arith.constant 0 : i32
            %dma_wait3A_69 = tpu.memref_slice %arg3[%dma_wait3A_67, %dma_wait3A_68] : memref<10240x128xf32, #tpu.memory_space<hbm>> -> memref<10240x128xf32, #tpu.memory_space<hbm>>
            tpu.wait_indirect_dma semaphore(%run_scoped3A : memref<!tpu.dma_semaphore, #tpu.memory_space<semaphore_mem>>) src(%dma_wait3A_69 : memref<10240x128xf32, #tpu.memory_space<hbm>>) dst(%arg11 : memref<100x128xf32, #tpu.memory_space<vmem>>)
            tpu.yield
          }) : () -> ()
        } else {
        }
        %scan3A_55 = arith.constant 0 : i32
        %scan3A_56 = arith.constant 100 : i32
        %scan3A_57 = arith.addi %scan3A_55, %scan3A_56 : i32
        %scan3A_58 = arith.constant 5 : i32
        scf.for %scan3A_60 = %scan3A_55 to %scan3A_57 step %scan3A_58  : i32 {
          %mul3A_61 = arith.constant 100 : i32
          %mul3A_62 = arith.muli %scan3A_47, %mul3A_61 : i32
          %add3A_63 = arith.addi %mul3A_62, %scan3A_60 : i32
          %broadcast_in_dim3A_64 = vector.broadcast %add3A_63 : i32 to vector<16xi32>
          %gather3A = tpu.vector_load_idx %arg10[%broadcast_in_dim3A_64] : memref<2000xf32, #tpu.memory_space<vmem>>[vector<16xi32>], vector<16xf32>,
          %get3A = arith.index_cast %scan3A_60 : i32 to index
          %get3A_65 = arith.constant 0 : index
          %get3A_66 = tpu.vector_load %arg11[%get3A, %get3A_65] {strides = array<i32>} : memref<100x128xf32, #tpu.memory_space<vmem>>, vector<16xf32>,
          %mul3A_67 = arith.mulf %get3A_66, %gather3A : vector<16xf32>
          %swap3A = arith.index_cast %scan3A_60 : i32 to index
          %swap3A_68 = arith.constant 0 : index
          %swap3A_69 = tpu.vector_load %arg11[%swap3A, %swap3A_68] {strides = array<i32>} : memref<100x128xf32, #tpu.memory_space<vmem>>, vector<16xf32>,
          tpu.vector_store %arg11[%swap3A, %swap3A_68], %mul3A_67 {strides = array<i32>} : memref<100x128xf32, #tpu.memory_space<vmem>>, vector<16xf32>,
          %get3A_70 = arith.index_cast %scan3A_60 : i32 to index
          %get3A_71 = arith.constant 16 : index
          %get3A_72 = tpu.vector_load %arg11[%get3A_70, %get3A_71] {strides = array<i32>} : memref<100x128xf32, #tpu.memory_space<vmem>>, vector<16xf32>,
          %mul3A_73 = arith.mulf %get3A_72, %gather3A : vector<16xf32>
          %swap3A_74 = arith.index_cast %scan3A_60 : i32 to index
          %swap3A_75 = arith.constant 16 : index
          %swap3A_76 = tpu.vector_load %arg11[%swap3A_74, %swap3A_75] {strides = array<i32>} : memref<100x128xf32, #tpu.memory_space<vmem>>, vector<16xf32>,
          tpu.vector_store %arg11[%swap3A_74, %swap3A_75], %mul3A_73 {strides = array<i32>} : memref<100x128xf32, #tpu.memory_space<vmem>>, vector<16xf32>,
          %get3A_77 = arith.index_cast %scan3A_60 : i32 to index
          %get3A_78 = arith.constant 32 : index
          %get3A_79 = tpu.vector_load %arg11[%get3A_77, %get3A_78] {strides = array<i32>} : memref<100x128xf32, #tpu.memory_space<vmem>>, vector<16xf32>,
          %mul3A_80 = arith.mulf %get3A_79, %gather3A : vector<16xf32>
          %swap3A_81 = arith.index_cast %scan3A_60 : i32 to index
          %swap3A_82 = arith.constant 32 : index
          %swap3A_83 = tpu.vector_load %arg11[%swap3A_81, %swap3A_82] {strides = array<i32>} : memref<100x128xf32, #tpu.memory_space<vmem>>, vector<16xf32>,
          tpu.vector_store %arg11[%swap3A_81, %swap3A_82], %mul3A_80 {strides = array<i32>} : memref<100x128xf32, #tpu.memory_space<vmem>>, vector<16xf32>,
          %get3A_84 = arith.index_cast %scan3A_60 : i32 to index
          %get3A_85 = arith.constant 48 : index
          %get3A_86 = tpu.vector_load %arg11[%get3A_84, %get3A_85] {strides = array<i32>} : memref<100x128xf32, #tpu.memory_space<vmem>>, vector<16xf32>,
          %mul3A_87 = arith.mulf %get3A_86, %gather3A : vector<16xf32>
          %swap3A_88 = arith.index_cast %scan3A_60 : i32 to index
          %swap3A_89 = arith.constant 48 : index
          %swap3A_90 = tpu.vector_load %arg11[%swap3A_88, %swap3A_89] {strides = array<i32>} : memref<100x128xf32, #tpu.memory_space<vmem>>, vector<16xf32>,
          tpu.vector_store %arg11[%swap3A_88, %swap3A_89], %mul3A_87 {strides = array<i32>} : memref<100x128xf32, #tpu.memory_space<vmem>>, vector<16xf32>,
          %get3A_91 = arith.index_cast %scan3A_60 : i32 to index
          %get3A_92 = arith.constant 64 : index
          %get3A_93 = tpu.vector_load %arg11[%get3A_91, %get3A_92] {strides = array<i32>} : memref<100x128xf32, #tpu.memory_space<vmem>>, vector<16xf32>,
          %mul3A_94 = arith.mulf %get3A_93, %gather3A : vector<16xf32>
          %swap3A_95 = arith.index_cast %scan3A_60 : i32 to index
          %swap3A_96 = arith.constant 64 : index
          %swap3A_97 = tpu.vector_load %arg11[%swap3A_95, %swap3A_96] {strides = array<i32>} : memref<100x128xf32, #tpu.memory_space<vmem>>, vector<16xf32>,
          tpu.vector_store %arg11[%swap3A_95, %swap3A_96], %mul3A_94 {strides = array<i32>} : memref<100x128xf32, #tpu.memory_space<vmem>>, vector<16xf32>,
          %get3A_98 = arith.index_cast %scan3A_60 : i32 to index
          %get3A_99 = arith.constant 80 : index
          %get3A_100 = tpu.vector_load %arg11[%get3A_98, %get3A_99] {strides = array<i32>} : memref<100x128xf32, #tpu.memory_space<vmem>>, vector<16xf32>,
          %mul3A_101 = arith.mulf %get3A_100, %gather3A : vector<16xf32>
          %swap3A_102 = arith.index_cast %scan3A_60 : i32 to index
          %swap3A_103 = arith.constant 80 : index
          %swap3A_104 = tpu.vector_load %arg11[%swap3A_102, %swap3A_103] {strides = array<i32>} : memref<100x128xf32, #tpu.memory_space<vmem>>, vector<16xf32>,
          tpu.vector_store %arg11[%swap3A_102, %swap3A_103], %mul3A_101 {strides = array<i32>} : memref<100x128xf32, #tpu.memory_space<vmem>>, vector<16xf32>,
          %get3A_105 = arith.index_cast %scan3A_60 : i32 to index
          %get3A_106 = arith.constant 96 : index
          %get3A_107 = tpu.vector_load %arg11[%get3A_105, %get3A_106] {strides = array<i32>} : memref<100x128xf32, #tpu.memory_space<vmem>>, vector<16xf32>,
          %mul3A_108 = arith.mulf %get3A_107, %gather3A : vector<16xf32>
          %swap3A_109 = arith.index_cast %scan3A_60 : i32 to index
          %swap3A_110 = arith.constant 96 : index
          %swap3A_111 = tpu.vector_load %arg11[%swap3A_109, %swap3A_110] {strides = array<i32>} : memref<100x128xf32, #tpu.memory_space<vmem>>, vector<16xf32>,
          tpu.vector_store %arg11[%swap3A_109, %swap3A_110], %mul3A_108 {strides = array<i32>} : memref<100x128xf32, #tpu.memory_space<vmem>>, vector<16xf32>,
          %get3A_112 = arith.index_cast %scan3A_60 : i32 to index
          %get3A_113 = arith.constant 112 : index
          %get3A_114 = tpu.vector_load %arg11[%get3A_112, %get3A_113] {strides = array<i32>} : memref<100x128xf32, #tpu.memory_space<vmem>>, vector<16xf32>,
          %mul3A_115 = arith.mulf %get3A_114, %gather3A : vector<16xf32>
          %swap3A_116 = arith.index_cast %scan3A_60 : i32 to index
          %swap3A_117 = arith.constant 112 : index
          %swap3A_118 = tpu.vector_load %arg11[%swap3A_116, %swap3A_117] {strides = array<i32>} : memref<100x128xf32, #tpu.memory_space<vmem>>, vector<16xf32>,
          tpu.vector_store %arg11[%swap3A_116, %swap3A_117], %mul3A_115 {strides = array<i32>} : memref<100x128xf32, #tpu.memory_space<vmem>>, vector<16xf32>,
          %scan3A_119 = arith.constant 1 : i32
          %scan3A_120 = arith.addi %scan3A_60, %scan3A_119 : i32
          %mul3A_121 = arith.constant 100 : i32
          %mul3A_122 = arith.muli %scan3A_47, %mul3A_121 : i32
          %add3A_123 = arith.addi %mul3A_122, %scan3A_120 : i32
          %broadcast_in_dim3A_124 = vector.broadcast %add3A_123 : i32 to vector<16xi32>
          %gather3A_125 = tpu.vector_load_idx %arg10[%broadcast_in_dim3A_124] : memref<2000xf32, #tpu.memory_space<vmem>>[vector<16xi32>], vector<16xf32>,
          %get3A_126 = arith.index_cast %scan3A_120 : i32 to index
          %get3A_127 = arith.constant 0 : index
          %get3A_128 = tpu.vector_load %arg11[%get3A_126, %get3A_127] {strides = array<i32>} : memref<100x128xf32, #tpu.memory_space<vmem>>, vector<16xf32>,
          %mul3A_129 = arith.mulf %get3A_128, %gather3A_125 : vector<16xf32>
          %swap3A_130 = arith.index_cast %scan3A_120 : i32 to index
          %swap3A_131 = arith.constant 0 : index
          %swap3A_132 = tpu.vector_load %arg11[%swap3A_130, %swap3A_131] {strides = array<i32>} : memref<100x128xf32, #tpu.memory_space<vmem>>, vector<16xf32>,
          tpu.vector_store %arg11[%swap3A_130, %swap3A_131], %mul3A_129 {strides = array<i32>} : memref<100x128xf32, #tpu.memory_space<vmem>>, vector<16xf32>,
          %get3A_133 = arith.index_cast %scan3A_120 : i32 to index
          %get3A_134 = arith.constant 16 : index
          %get3A_135 = tpu.vector_load %arg11[%get3A_133, %get3A_134] {strides = array<i32>} : memref<100x128xf32, #tpu.memory_space<vmem>>, vector<16xf32>,
          %mul3A_136 = arith.mulf %get3A_135, %gather3A_125 : vector<16xf32>
          %swap3A_137 = arith.index_cast %scan3A_120 : i32 to index
          %swap3A_138 = arith.constant 16 : index
          %swap3A_139 = tpu.vector_load %arg11[%swap3A_137, %swap3A_138] {strides = array<i32>} : memref<100x128xf32, #tpu.memory_space<vmem>>, vector<16xf32>,
          tpu.vector_store %arg11[%swap3A_137, %swap3A_138], %mul3A_136 {strides = array<i32>} : memref<100x128xf32, #tpu.memory_space<vmem>>, vector<16xf32>,
          %get3A_140 = arith.index_cast %scan3A_120 : i32 to index
          %get3A_141 = arith.constant 32 : index
          %get3A_142 = tpu.vector_load %arg11[%get3A_140, %get3A_141] {strides = array<i32>} : memref<100x128xf32, #tpu.memory_space<vmem>>, vector<16xf32>,
          %mul3A_143 = arith.mulf %get3A_142, %gather3A_125 : vector<16xf32>
          %swap3A_144 = arith.index_cast %scan3A_120 : i32 to index
          %swap3A_145 = arith.constant 32 : index
          %swap3A_146 = tpu.vector_load %arg11[%swap3A_144, %swap3A_145] {strides = array<i32>} : memref<100x128xf32, #tpu.memory_space<vmem>>, vector<16xf32>,
          tpu.vector_store %arg11[%swap3A_144, %swap3A_145], %mul3A_143 {strides = array<i32>} : memref<100x128xf32, #tpu.memory_space<vmem>>, vector<16xf32>,
          %get3A_147 = arith.index_cast %scan3A_120 : i32 to index
          %get3A_148 = arith.constant 48 : index
          %get3A_149 = tpu.vector_load %arg11[%get3A_147, %get3A_148] {strides = array<i32>} : memref<100x128xf32, #tpu.memory_space<vmem>>, vector<16xf32>,
          %mul3A_150 = arith.mulf %get3A_149, %gather3A_125 : vector<16xf32>
          %swap3A_151 = arith.index_cast %scan3A_120 : i32 to index
          %swap3A_152 = arith.constant 48 : index
          %swap3A_153 = tpu.vector_load %arg11[%swap3A_151, %swap3A_152] {strides = array<i32>} : memref<100x128xf32, #tpu.memory_space<vmem>>, vector<16xf32>,
          tpu.vector_store %arg11[%swap3A_151, %swap3A_152], %mul3A_150 {strides = array<i32>} : memref<100x128xf32, #tpu.memory_space<vmem>>, vector<16xf32>,
          %get3A_154 = arith.index_cast %scan3A_120 : i32 to index
          %get3A_155 = arith.constant 64 : index
          %get3A_156 = tpu.vector_load %arg11[%get3A_154, %get3A_155] {strides = array<i32>} : memref<100x128xf32, #tpu.memory_space<vmem>>, vector<16xf32>,
          %mul3A_157 = arith.mulf %get3A_156, %gather3A_125 : vector<16xf32>
          %swap3A_158 = arith.index_cast %scan3A_120 : i32 to index
          %swap3A_159 = arith.constant 64 : index
          %swap3A_160 = tpu.vector_load %arg11[%swap3A_158, %swap3A_159] {strides = array<i32>} : memref<100x128xf32, #tpu.memory_space<vmem>>, vector<16xf32>,
          tpu.vector_store %arg11[%swap3A_158, %swap3A_159], %mul3A_157 {strides = array<i32>} : memref<100x128xf32, #tpu.memory_space<vmem>>, vector<16xf32>,
          %get3A_161 = arith.index_cast %scan3A_120 : i32 to index
          %get3A_162 = arith.constant 80 : index
          %get3A_163 = tpu.vector_load %arg11[%get3A_161, %get3A_162] {strides = array<i32>} : memref<100x128xf32, #tpu.memory_space<vmem>>, vector<16xf32>,
          %mul3A_164 = arith.mulf %get3A_163, %gather3A_125 : vector<16xf32>
          %swap3A_165 = arith.index_cast %scan3A_120 : i32 to index
          %swap3A_166 = arith.constant 80 : index
          %swap3A_167 = tpu.vector_load %arg11[%swap3A_165, %swap3A_166] {strides = array<i32>} : memref<100x128xf32, #tpu.memory_space<vmem>>, vector<16xf32>,
          tpu.vector_store %arg11[%swap3A_165, %swap3A_166], %mul3A_164 {strides = array<i32>} : memref<100x128xf32, #tpu.memory_space<vmem>>, vector<16xf32>,
          %get3A_168 = arith.index_cast %scan3A_120 : i32 to index
          %get3A_169 = arith.constant 96 : index
          %get3A_170 = tpu.vector_load %arg11[%get3A_168, %get3A_169] {strides = array<i32>} : memref<100x128xf32, #tpu.memory_space<vmem>>, vector<16xf32>,
          %mul3A_171 = arith.mulf %get3A_170, %gather3A_125 : vector<16xf32>
          %swap3A_172 = arith.index_cast %scan3A_120 : i32 to index
          %swap3A_173 = arith.constant 96 : index
          %swap3A_174 = tpu.vector_load %arg11[%swap3A_172, %swap3A_173] {strides = array<i32>} : memref<100x128xf32, #tpu.memory_space<vmem>>, vector<16xf32>,
          tpu.vector_store %arg11[%swap3A_172, %swap3A_173], %mul3A_171 {strides = array<i32>} : memref<100x128xf32, #tpu.memory_space<vmem>>, vector<16xf32>,
          %get3A_175 = arith.index_cast %scan3A_120 : i32 to index
          %get3A_176 = arith.constant 112 : index
          %get3A_177 = tpu.vector_load %arg11[%get3A_175, %get3A_176] {strides = array<i32>} : memref<100x128xf32, #tpu.memory_space<vmem>>, vector<16xf32>,
          %mul3A_178 = arith.mulf %get3A_177, %gather3A_125 : vector<16xf32>
          %swap3A_179 = arith.index_cast %scan3A_120 : i32 to index
          %swap3A_180 = arith.constant 112 : index
          %swap3A_181 = tpu.vector_load %arg11[%swap3A_179, %swap3A_180] {strides = array<i32>} : memref<100x128xf32, #tpu.memory_space<vmem>>, vector<16xf32>,
          tpu.vector_store %arg11[%swap3A_179, %swap3A_180], %mul3A_178 {strides = array<i32>} : memref<100x128xf32, #tpu.memory_space<vmem>>, vector<16xf32>,
          %scan3A_182 = arith.constant 2 : i32
          %scan3A_183 = arith.addi %scan3A_60, %scan3A_182 : i32
          %mul3A_184 = arith.constant 100 : i32
          %mul3A_185 = arith.muli %scan3A_47, %mul3A_184 : i32
          %add3A_186 = arith.addi %mul3A_185, %scan3A_183 : i32
          %broadcast_in_dim3A_187 = vector.broadcast %add3A_186 : i32 to vector<16xi32>
          %gather3A_188 = tpu.vector_load_idx %arg10[%broadcast_in_dim3A_187] : memref<2000xf32, #tpu.memory_space<vmem>>[vector<16xi32>], vector<16xf32>,
          %get3A_189 = arith.index_cast %scan3A_183 : i32 to index
          %get3A_190 = arith.constant 0 : index
          %get3A_191 = tpu.vector_load %arg11[%get3A_189, %get3A_190] {strides = array<i32>} : memref<100x128xf32, #tpu.memory_space<vmem>>, vector<16xf32>,
          %mul3A_192 = arith.mulf %get3A_191, %gather3A_188 : vector<16xf32>
          %swap3A_193 = arith.index_cast %scan3A_183 : i32 to index
          %swap3A_194 = arith.constant 0 : index
          %swap3A_195 = tpu.vector_load %arg11[%swap3A_193, %swap3A_194] {strides = array<i32>} : memref<100x128xf32, #tpu.memory_space<vmem>>, vector<16xf32>,
          tpu.vector_store %arg11[%swap3A_193, %swap3A_194], %mul3A_192 {strides = array<i32>} : memref<100x128xf32, #tpu.memory_space<vmem>>, vector<16xf32>,
          %get3A_196 = arith.index_cast %scan3A_183 : i32 to index
          %get3A_197 = arith.constant 16 : index
          %get3A_198 = tpu.vector_load %arg11[%get3A_196, %get3A_197] {strides = array<i32>} : memref<100x128xf32, #tpu.memory_space<vmem>>, vector<16xf32>,
          %mul3A_199 = arith.mulf %get3A_198, %gather3A_188 : vector<16xf32>
          %swap3A_200 = arith.index_cast %scan3A_183 : i32 to index
          %swap3A_201 = arith.constant 16 : index
          %swap3A_202 = tpu.vector_load %arg11[%swap3A_200, %swap3A_201] {strides = array<i32>} : memref<100x128xf32, #tpu.memory_space<vmem>>, vector<16xf32>,
          tpu.vector_store %arg11[%swap3A_200, %swap3A_201], %mul3A_199 {strides = array<i32>} : memref<100x128xf32, #tpu.memory_space<vmem>>, vector<16xf32>,
          %get3A_203 = arith.index_cast %scan3A_183 : i32 to index
          %get3A_204 = arith.constant 32 : index
          %get3A_205 = tpu.vector_load %arg11[%get3A_203, %get3A_204] {strides = array<i32>} : memref<100x128xf32, #tpu.memory_space<vmem>>, vector<16xf32>,
          %mul3A_206 = arith.mulf %get3A_205, %gather3A_188 : vector<16xf32>
          %swap3A_207 = arith.index_cast %scan3A_183 : i32 to index
          %swap3A_208 = arith.constant 32 : index
          %swap3A_209 = tpu.vector_load %arg11[%swap3A_207, %swap3A_208] {strides = array<i32>} : memref<100x128xf32, #tpu.memory_space<vmem>>, vector<16xf32>,
          tpu.vector_store %arg11[%swap3A_207, %swap3A_208], %mul3A_206 {strides = array<i32>} : memref<100x128xf32, #tpu.memory_space<vmem>>, vector<16xf32>,
          %get3A_210 = arith.index_cast %scan3A_183 : i32 to index
          %get3A_211 = arith.constant 48 : index
          %get3A_212 = tpu.vector_load %arg11[%get3A_210, %get3A_211] {strides = array<i32>} : memref<100x128xf32, #tpu.memory_space<vmem>>, vector<16xf32>,
          %mul3A_213 = arith.mulf %get3A_212, %gather3A_188 : vector<16xf32>
          %swap3A_214 = arith.index_cast %scan3A_183 : i32 to index
          %swap3A_215 = arith.constant 48 : index
          %swap3A_216 = tpu.vector_load %arg11[%swap3A_214, %swap3A_215] {strides = array<i32>} : memref<100x128xf32, #tpu.memory_space<vmem>>, vector<16xf32>,
          tpu.vector_store %arg11[%swap3A_214, %swap3A_215], %mul3A_213 {strides = array<i32>} : memref<100x128xf32, #tpu.memory_space<vmem>>, vector<16xf32>,
          %get3A_217 = arith.index_cast %scan3A_183 : i32 to index
          %get3A_218 = arith.constant 64 : index
          %get3A_219 = tpu.vector_load %arg11[%get3A_217, %get3A_218] {strides = array<i32>} : memref<100x128xf32, #tpu.memory_space<vmem>>, vector<16xf32>,
          %mul3A_220 = arith.mulf %get3A_219, %gather3A_188 : vector<16xf32>
          %swap3A_221 = arith.index_cast %scan3A_183 : i32 to index
          %swap3A_222 = arith.constant 64 : index
          %swap3A_223 = tpu.vector_load %arg11[%swap3A_221, %swap3A_222] {strides = array<i32>} : memref<100x128xf32, #tpu.memory_space<vmem>>, vector<16xf32>,
          tpu.vector_store %arg11[%swap3A_221, %swap3A_222], %mul3A_220 {strides = array<i32>} : memref<100x128xf32, #tpu.memory_space<vmem>>, vector<16xf32>,
          %get3A_224 = arith.index_cast %scan3A_183 : i32 to index
          %get3A_225 = arith.constant 80 : index
          %get3A_226 = tpu.vector_load %arg11[%get3A_224, %get3A_225] {strides = array<i32>} : memref<100x128xf32, #tpu.memory_space<vmem>>, vector<16xf32>,
          %mul3A_227 = arith.mulf %get3A_226, %gather3A_188 : vector<16xf32>
          %swap3A_228 = arith.index_cast %scan3A_183 : i32 to index
          %swap3A_229 = arith.constant 80 : index
          %swap3A_230 = tpu.vector_load %arg11[%swap3A_228, %swap3A_229] {strides = array<i32>} : memref<100x128xf32, #tpu.memory_space<vmem>>, vector<16xf32>,
          tpu.vector_store %arg11[%swap3A_228, %swap3A_229], %mul3A_227 {strides = array<i32>} : memref<100x128xf32, #tpu.memory_space<vmem>>, vector<16xf32>,
          %get3A_231 = arith.index_cast %scan3A_183 : i32 to index
          %get3A_232 = arith.constant 96 : index
          %get3A_233 = tpu.vector_load %arg11[%get3A_231, %get3A_232] {strides = array<i32>} : memref<100x128xf32, #tpu.memory_space<vmem>>, vector<16xf32>,
          %mul3A_234 = arith.mulf %get3A_233, %gather3A_188 : vector<16xf32>
          %swap3A_235 = arith.index_cast %scan3A_183 : i32 to index
          %swap3A_236 = arith.constant 96 : index
          %swap3A_237 = tpu.vector_load %arg11[%swap3A_235, %swap3A_236] {strides = array<i32>} : memref<100x128xf32, #tpu.memory_space<vmem>>, vector<16xf32>,
          tpu.vector_store %arg11[%swap3A_235, %swap3A_236], %mul3A_234 {strides = array<i32>} : memref<100x128xf32, #tpu.memory_space<vmem>>, vector<16xf32>,
          %get3A_238 = arith.index_cast %scan3A_183 : i32 to index
          %get3A_239 = arith.constant 112 : index
          %get3A_240 = tpu.vector_load %arg11[%get3A_238, %get3A_239] {strides = array<i32>} : memref<100x128xf32, #tpu.memory_space<vmem>>, vector<16xf32>,
          %mul3A_241 = arith.mulf %get3A_240, %gather3A_188 : vector<16xf32>
          %swap3A_242 = arith.index_cast %scan3A_183 : i32 to index
          %swap3A_243 = arith.constant 112 : index
          %swap3A_244 = tpu.vector_load %arg11[%swap3A_242, %swap3A_243] {strides = array<i32>} : memref<100x128xf32, #tpu.memory_space<vmem>>, vector<16xf32>,
          tpu.vector_store %arg11[%swap3A_242, %swap3A_243], %mul3A_241 {strides = array<i32>} : memref<100x128xf32, #tpu.memory_space<vmem>>, vector<16xf32>,
          %scan3A_245 = arith.constant 3 : i32
          %scan3A_246 = arith.addi %scan3A_60, %scan3A_245 : i32
          %mul3A_247 = arith.constant 100 : i32
          %mul3A_248 = arith.muli %scan3A_47, %mul3A_247 : i32
          %add3A_249 = arith.addi %mul3A_248, %scan3A_246 : i32
          %broadcast_in_dim3A_250 = vector.broadcast %add3A_249 : i32 to vector<16xi32>
          %gather3A_251 = tpu.vector_load_idx %arg10[%broadcast_in_dim3A_250] : memref<2000xf32, #tpu.memory_space<vmem>>[vector<16xi32>], vector<16xf32>,
          %get3A_252 = arith.index_cast %scan3A_246 : i32 to index
          %get3A_253 = arith.constant 0 : index
          %get3A_254 = tpu.vector_load %arg11[%get3A_252, %get3A_253] {strides = array<i32>} : memref<100x128xf32, #tpu.memory_space<vmem>>, vector<16xf32>,
          %mul3A_255 = arith.mulf %get3A_254, %gather3A_251 : vector<16xf32>
          %swap3A_256 = arith.index_cast %scan3A_246 : i32 to index
          %swap3A_257 = arith.constant 0 : index
          %swap3A_258 = tpu.vector_load %arg11[%swap3A_256, %swap3A_257] {strides = array<i32>} : memref<100x128xf32, #tpu.memory_space<vmem>>, vector<16xf32>,
          tpu.vector_store %arg11[%swap3A_256, %swap3A_257], %mul3A_255 {strides = array<i32>} : memref<100x128xf32, #tpu.memory_space<vmem>>, vector<16xf32>,
          %get3A_259 = arith.index_cast %scan3A_246 : i32 to index
          %get3A_260 = arith.constant 16 : index
          %get3A_261 = tpu.vector_load %arg11[%get3A_259, %get3A_260] {strides = array<i32>} : memref<100x128xf32, #tpu.memory_space<vmem>>, vector<16xf32>,
          %mul3A_262 = arith.mulf %get3A_261, %gather3A_251 : vector<16xf32>
          %swap3A_263 = arith.index_cast %scan3A_246 : i32 to index
          %swap3A_264 = arith.constant 16 : index
          %swap3A_265 = tpu.vector_load %arg11[%swap3A_263, %swap3A_264] {strides = array<i32>} : memref<100x128xf32, #tpu.memory_space<vmem>>, vector<16xf32>,
          tpu.vector_store %arg11[%swap3A_263, %swap3A_264], %mul3A_262 {strides = array<i32>} : memref<100x128xf32, #tpu.memory_space<vmem>>, vector<16xf32>,
          %get3A_266 = arith.index_cast %scan3A_246 : i32 to index
          %get3A_267 = arith.constant 32 : index
          %get3A_268 = tpu.vector_load %arg11[%get3A_266, %get3A_267] {strides = array<i32>} : memref<100x128xf32, #tpu.memory_space<vmem>>, vector<16xf32>,
          %mul3A_269 = arith.mulf %get3A_268, %gather3A_251 : vector<16xf32>
          %swap3A_270 = arith.index_cast %scan3A_246 : i32 to index
          %swap3A_271 = arith.constant 32 : index
          %swap3A_272 = tpu.vector_load %arg11[%swap3A_270, %swap3A_271] {strides = array<i32>} : memref<100x128xf32, #tpu.memory_space<vmem>>, vector<16xf32>,
          tpu.vector_store %arg11[%swap3A_270, %swap3A_271], %mul3A_269 {strides = array<i32>} : memref<100x128xf32, #tpu.memory_space<vmem>>, vector<16xf32>,
          %get3A_273 = arith.index_cast %scan3A_246 : i32 to index
          %get3A_274 = arith.constant 48 : index
          %get3A_275 = tpu.vector_load %arg11[%get3A_273, %get3A_274] {strides = array<i32>} : memref<100x128xf32, #tpu.memory_space<vmem>>, vector<16xf32>,
          %mul3A_276 = arith.mulf %get3A_275, %gather3A_251 : vector<16xf32>
          %swap3A_277 = arith.index_cast %scan3A_246 : i32 to index
          %swap3A_278 = arith.constant 48 : index
          %swap3A_279 = tpu.vector_load %arg11[%swap3A_277, %swap3A_278] {strides = array<i32>} : memref<100x128xf32, #tpu.memory_space<vmem>>, vector<16xf32>,
          tpu.vector_store %arg11[%swap3A_277, %swap3A_278], %mul3A_276 {strides = array<i32>} : memref<100x128xf32, #tpu.memory_space<vmem>>, vector<16xf32>,
          %get3A_280 = arith.index_cast %scan3A_246 : i32 to index
          %get3A_281 = arith.constant 64 : index
          %get3A_282 = tpu.vector_load %arg11[%get3A_280, %get3A_281] {strides = array<i32>} : memref<100x128xf32, #tpu.memory_space<vmem>>, vector<16xf32>,
          %mul3A_283 = arith.mulf %get3A_282, %gather3A_251 : vector<16xf32>
          %swap3A_284 = arith.index_cast %scan3A_246 : i32 to index
          %swap3A_285 = arith.constant 64 : index
          %swap3A_286 = tpu.vector_load %arg11[%swap3A_284, %swap3A_285] {strides = array<i32>} : memref<100x128xf32, #tpu.memory_space<vmem>>, vector<16xf32>,
          tpu.vector_store %arg11[%swap3A_284, %swap3A_285], %mul3A_283 {strides = array<i32>} : memref<100x128xf32, #tpu.memory_space<vmem>>, vector<16xf32>,
          %get3A_287 = arith.index_cast %scan3A_246 : i32 to index
          %get3A_288 = arith.constant 80 : index
          %get3A_289 = tpu.vector_load %arg11[%get3A_287, %get3A_288] {strides = array<i32>} : memref<100x128xf32, #tpu.memory_space<vmem>>, vector<16xf32>,
          %mul3A_290 = arith.mulf %get3A_289, %gather3A_251 : vector<16xf32>
          %swap3A_291 = arith.index_cast %scan3A_246 : i32 to index
          %swap3A_292 = arith.constant 80 : index
          %swap3A_293 = tpu.vector_load %arg11[%swap3A_291, %swap3A_292] {strides = array<i32>} : memref<100x128xf32, #tpu.memory_space<vmem>>, vector<16xf32>,
          tpu.vector_store %arg11[%swap3A_291, %swap3A_292], %mul3A_290 {strides = array<i32>} : memref<100x128xf32, #tpu.memory_space<vmem>>, vector<16xf32>,
          %get3A_294 = arith.index_cast %scan3A_246 : i32 to index
          %get3A_295 = arith.constant 96 : index
          %get3A_296 = tpu.vector_load %arg11[%get3A_294, %get3A_295] {strides = array<i32>} : memref<100x128xf32, #tpu.memory_space<vmem>>, vector<16xf32>,
          %mul3A_297 = arith.mulf %get3A_296, %gather3A_251 : vector<16xf32>
          %swap3A_298 = arith.index_cast %scan3A_246 : i32 to index
          %swap3A_299 = arith.constant 96 : index
          %swap3A_300 = tpu.vector_load %arg11[%swap3A_298, %swap3A_299] {strides = array<i32>} : memref<100x128xf32, #tpu.memory_space<vmem>>, vector<16xf32>,
          tpu.vector_store %arg11[%swap3A_298, %swap3A_299], %mul3A_297 {strides = array<i32>} : memref<100x128xf32, #tpu.memory_space<vmem>>, vector<16xf32>,
          %get3A_301 = arith.index_cast %scan3A_246 : i32 to index
          %get3A_302 = arith.constant 112 : index
          %get3A_303 = tpu.vector_load %arg11[%get3A_301, %get3A_302] {strides = array<i32>} : memref<100x128xf32, #tpu.memory_space<vmem>>, vector<16xf32>,
          %mul3A_304 = arith.mulf %get3A_303, %gather3A_251 : vector<16xf32>
          %swap3A_305 = arith.index_cast %scan3A_246 : i32 to index
          %swap3A_306 = arith.constant 112 : index
          %swap3A_307 = tpu.vector_load %arg11[%swap3A_305, %swap3A_306] {strides = array<i32>} : memref<100x128xf32, #tpu.memory_space<vmem>>, vector<16xf32>,
          tpu.vector_store %arg11[%swap3A_305, %swap3A_306], %mul3A_304 {strides = array<i32>} : memref<100x128xf32, #tpu.memory_space<vmem>>, vector<16xf32>,
          %scan3A_308 = arith.constant 4 : i32
          %scan3A_309 = arith.addi %scan3A_60, %scan3A_308 : i32
          %mul3A_310 = arith.constant 100 : i32
          %mul3A_311 = arith.muli %scan3A_47, %mul3A_310 : i32
          %add3A_312 = arith.addi %mul3A_311, %scan3A_309 : i32
          %broadcast_in_dim3A_313 = vector.broadcast %add3A_312 : i32 to vector<16xi32>
          %gather3A_314 = tpu.vector_load_idx %arg10[%broadcast_in_dim3A_313] : memref<2000xf32, #tpu.memory_space<vmem>>[vector<16xi32>], vector<16xf32>,
          %get3A_315 = arith.index_cast %scan3A_309 : i32 to index
          %get3A_316 = arith.constant 0 : index
          %get3A_317 = tpu.vector_load %arg11[%get3A_315, %get3A_316] {strides = array<i32>} : memref<100x128xf32, #tpu.memory_space<vmem>>, vector<16xf32>,
          %mul3A_318 = arith.mulf %get3A_317, %gather3A_314 : vector<16xf32>
          %swap3A_319 = arith.index_cast %scan3A_309 : i32 to index
          %swap3A_320 = arith.constant 0 : index
          %swap3A_321 = tpu.vector_load %arg11[%swap3A_319, %swap3A_320] {strides = array<i32>} : memref<100x128xf32, #tpu.memory_space<vmem>>, vector<16xf32>,
          tpu.vector_store %arg11[%swap3A_319, %swap3A_320], %mul3A_318 {strides = array<i32>} : memref<100x128xf32, #tpu.memory_space<vmem>>, vector<16xf32>,
          %get3A_322 = arith.index_cast %scan3A_309 : i32 to index
          %get3A_323 = arith.constant 16 : index
          %get3A_324 = tpu.vector_load %arg11[%get3A_322, %get3A_323] {strides = array<i32>} : memref<100x128xf32, #tpu.memory_space<vmem>>, vector<16xf32>,
          %mul3A_325 = arith.mulf %get3A_324, %gather3A_314 : vector<16xf32>
          %swap3A_326 = arith.index_cast %scan3A_309 : i32 to index
          %swap3A_327 = arith.constant 16 : index
          %swap3A_328 = tpu.vector_load %arg11[%swap3A_326, %swap3A_327] {strides = array<i32>} : memref<100x128xf32, #tpu.memory_space<vmem>>, vector<16xf32>,
          tpu.vector_store %arg11[%swap3A_326, %swap3A_327], %mul3A_325 {strides = array<i32>} : memref<100x128xf32, #tpu.memory_space<vmem>>, vector<16xf32>,
          %get3A_329 = arith.index_cast %scan3A_309 : i32 to index
          %get3A_330 = arith.constant 32 : index
          %get3A_331 = tpu.vector_load %arg11[%get3A_329, %get3A_330] {strides = array<i32>} : memref<100x128xf32, #tpu.memory_space<vmem>>, vector<16xf32>,
          %mul3A_332 = arith.mulf %get3A_331, %gather3A_314 : vector<16xf32>
          %swap3A_333 = arith.index_cast %scan3A_309 : i32 to index
          %swap3A_334 = arith.constant 32 : index
          %swap3A_335 = tpu.vector_load %arg11[%swap3A_333, %swap3A_334] {strides = array<i32>} : memref<100x128xf32, #tpu.memory_space<vmem>>, vector<16xf32>,
          tpu.vector_store %arg11[%swap3A_333, %swap3A_334], %mul3A_332 {strides = array<i32>} : memref<100x128xf32, #tpu.memory_space<vmem>>, vector<16xf32>,
          %get3A_336 = arith.index_cast %scan3A_309 : i32 to index
          %get3A_337 = arith.constant 48 : index
          %get3A_338 = tpu.vector_load %arg11[%get3A_336, %get3A_337] {strides = array<i32>} : memref<100x128xf32, #tpu.memory_space<vmem>>, vector<16xf32>,
          %mul3A_339 = arith.mulf %get3A_338, %gather3A_314 : vector<16xf32>
          %swap3A_340 = arith.index_cast %scan3A_309 : i32 to index
          %swap3A_341 = arith.constant 48 : index
          %swap3A_342 = tpu.vector_load %arg11[%swap3A_340, %swap3A_341] {strides = array<i32>} : memref<100x128xf32, #tpu.memory_space<vmem>>, vector<16xf32>,
          tpu.vector_store %arg11[%swap3A_340, %swap3A_341], %mul3A_339 {strides = array<i32>} : memref<100x128xf32, #tpu.memory_space<vmem>>, vector<16xf32>,
          %get3A_343 = arith.index_cast %scan3A_309 : i32 to index
          %get3A_344 = arith.constant 64 : index
          %get3A_345 = tpu.vector_load %arg11[%get3A_343, %get3A_344] {strides = array<i32>} : memref<100x128xf32, #tpu.memory_space<vmem>>, vector<16xf32>,
          %mul3A_346 = arith.mulf %get3A_345, %gather3A_314 : vector<16xf32>
          %swap3A_347 = arith.index_cast %scan3A_309 : i32 to index
          %swap3A_348 = arith.constant 64 : index
          %swap3A_349 = tpu.vector_load %arg11[%swap3A_347, %swap3A_348] {strides = array<i32>} : memref<100x128xf32, #tpu.memory_space<vmem>>, vector<16xf32>,
          tpu.vector_store %arg11[%swap3A_347, %swap3A_348], %mul3A_346 {strides = array<i32>} : memref<100x128xf32, #tpu.memory_space<vmem>>, vector<16xf32>,
          %get3A_350 = arith.index_cast %scan3A_309 : i32 to index
          %get3A_351 = arith.constant 80 : index
          %get3A_352 = tpu.vector_load %arg11[%get3A_350, %get3A_351] {strides = array<i32>} : memref<100x128xf32, #tpu.memory_space<vmem>>, vector<16xf32>,
          %mul3A_353 = arith.mulf %get3A_352, %gather3A_314 : vector<16xf32>
          %swap3A_354 = arith.index_cast %scan3A_309 : i32 to index
          %swap3A_355 = arith.constant 80 : index
          %swap3A_356 = tpu.vector_load %arg11[%swap3A_354, %swap3A_355] {strides = array<i32>} : memref<100x128xf32, #tpu.memory_space<vmem>>, vector<16xf32>,
          tpu.vector_store %arg11[%swap3A_354, %swap3A_355], %mul3A_353 {strides = array<i32>} : memref<100x128xf32, #tpu.memory_space<vmem>>, vector<16xf32>,
          %get3A_357 = arith.index_cast %scan3A_309 : i32 to index
          %get3A_358 = arith.constant 96 : index
          %get3A_359 = tpu.vector_load %arg11[%get3A_357, %get3A_358] {strides = array<i32>} : memref<100x128xf32, #tpu.memory_space<vmem>>, vector<16xf32>,
          %mul3A_360 = arith.mulf %get3A_359, %gather3A_314 : vector<16xf32>
          %swap3A_361 = arith.index_cast %scan3A_309 : i32 to index
          %swap3A_362 = arith.constant 96 : index
          %swap3A_363 = tpu.vector_load %arg11[%swap3A_361, %swap3A_362] {strides = array<i32>} : memref<100x128xf32, #tpu.memory_space<vmem>>, vector<16xf32>,
          tpu.vector_store %arg11[%swap3A_361, %swap3A_362], %mul3A_360 {strides = array<i32>} : memref<100x128xf32, #tpu.memory_space<vmem>>, vector<16xf32>,
          %get3A_364 = arith.index_cast %scan3A_309 : i32 to index
          %get3A_365 = arith.constant 112 : index
          %get3A_366 = tpu.vector_load %arg11[%get3A_364, %get3A_365] {strides = array<i32>} : memref<100x128xf32, #tpu.memory_space<vmem>>, vector<16xf32>,
          %mul3A_367 = arith.mulf %get3A_366, %gather3A_314 : vector<16xf32>
          %swap3A_368 = arith.index_cast %scan3A_309 : i32 to index
          %swap3A_369 = arith.constant 112 : index
          %swap3A_370 = tpu.vector_load %arg11[%swap3A_368, %swap3A_369] {strides = array<i32>} : memref<100x128xf32, #tpu.memory_space<vmem>>, vector<16xf32>,
          tpu.vector_store %arg11[%swap3A_368, %swap3A_369], %mul3A_367 {strides = array<i32>} : memref<100x128xf32, #tpu.memory_space<vmem>>, vector<16xf32>,
        }
        %scan3A_59 = arith.constant 100 : i32
        "tpu.region"() ({
          %run_scoped3A = tpu.sem_alloc : memref<!tpu.dma_semaphore, #tpu.memory_space<semaphore_mem>>
          %dma_start3A = arith.constant 0 : i32
          %dma_start3A_60 = tpu.memref_slice %arg9[%scan3A_47, %dma_start3A] : memref<20x100xi32, #tpu.memory_space<vmem>> -> memref<1x100xi32, #tpu.memory_space<vmem>>
          %dma_start3A_61 = tpu.memref_squeeze %dma_start3A_60 : memref<1x100xi32, #tpu.memory_space<vmem>> -> memref<100xi32, #tpu.memory_space<vmem>>
          %dma_start3A_62 = arith.constant 0 : i32
          %dma_start3A_63 = arith.constant 0 : i32
          %dma_start3A_64 = tpu.memref_slice %arg13[%dma_start3A_62, %dma_start3A_63] : memref<10240x128xf32, #tpu.memory_space<vmem_shared>> -> memref<10240x128xf32, #tpu.memory_space<vmem_shared>>
          tpu.enqueue_indirect_dma source(%arg11 : memref<100x128xf32, #tpu.memory_space<vmem>>) target(%dma_start3A_64 : memref<10240x128xf32, #tpu.memory_space<vmem_shared>>) offsets(%dma_start3A_61 : memref<100xi32, #tpu.memory_space<vmem>>) semaphore(%run_scoped3A : memref<!tpu.dma_semaphore, #tpu.memory_space<semaphore_mem>>) {add = true}
          %dma_wait3A = arith.constant 0 : i32
          %dma_wait3A_65 = tpu.memref_slice %arg9[%scan3A_47, %dma_wait3A] : memref<20x100xi32, #tpu.memory_space<vmem>> -> memref<1x100xi32, #tpu.memory_space<vmem>>
          %dma_wait3A_66 = tpu.memref_squeeze %dma_wait3A_65 : memref<1x100xi32, #tpu.memory_space<vmem>> -> memref<100xi32, #tpu.memory_space<vmem>>
          %dma_wait3A_67 = arith.constant 0 : i32
          %dma_wait3A_68 = arith.constant 0 : i32
          %dma_wait3A_69 = tpu.memref_slice %arg13[%dma_wait3A_67, %dma_wait3A_68] : memref<10240x128xf32, #tpu.memory_space<vmem_shared>> -> memref<10240x128xf32, #tpu.memory_space<vmem_shared>>
          tpu.wait_indirect_dma semaphore(%run_scoped3A : memref<!tpu.dma_semaphore, #tpu.memory_space<semaphore_mem>>) src(%arg11 : memref<100x128xf32, #tpu.memory_space<vmem>>) dst(%dma_wait3A_69 : memref<10240x128xf32, #tpu.memory_space<vmem_shared>>)
          tpu.yield
        }) : () -> ()
      }
      %scan3A_46 = arith.constant 20 : i32
    }
    %scan3A_35 = arith.constant 5 : i32
    %barrier3A_36 = arith.constant 0 : index
    tpu.barrier barrier_id(%barrier3A_36)
    %mul3A_37 = arith.constant 640 : i32
    %mul3A_38 = arith.muli %arg1, %mul3A_37 : i32
    %mul3A_39 = arith.constant 640 : i32
    %mul3A_40 = arith.muli %arg1, %mul3A_39 : i32
    "tpu.region"() ({
      %run_scoped3A = tpu.sem_alloc : memref<!tpu.dma_semaphore, #tpu.memory_space<semaphore_mem>>
      %dma_start3A = arith.constant 0 : i32
      %dma_start3A_41 = tpu.memref_slice %arg7[%arg0, %mul3A_40, %dma_start3A] : memref<2x10240x128xf32, #tpu.memory_space<hbm>> -> memref<1x640x128xf32, #tpu.memory_space<hbm>>
      %dma_start3A_42 = tpu.memref_squeeze %dma_start3A_41 : memref<1x640x128xf32, #tpu.memory_space<hbm>> -> memref<640x128xf32, #tpu.memory_space<hbm>>
      %dma_start3A_43 = arith.constant 0 : i32
      %dma_start3A_44 = tpu.memref_slice %arg13[%mul3A_38, %dma_start3A_43] : memref<10240x128xf32, #tpu.memory_space<vmem_shared>> -> memref<640x128xf32, #tpu.memory_space<vmem_shared>>
      tpu.enqueue_dma source(%dma_start3A_44 : memref<640x128xf32, #tpu.memory_space<vmem_shared>>) target(%dma_start3A_42 : memref<640x128xf32, #tpu.memory_space<hbm>>) target_semaphore(%run_scoped3A : memref<!tpu.dma_semaphore, #tpu.memory_space<semaphore_mem>>)
      %dma_wait3A = arith.constant 0 : i32
      %dma_wait3A_45 = tpu.memref_slice %arg7[%arg0, %mul3A_40, %dma_wait3A] : memref<2x10240x128xf32, #tpu.memory_space<hbm>> -> memref<1x640x128xf32, #tpu.memory_space<hbm>>
      %dma_wait3A_46 = tpu.memref_squeeze %dma_wait3A_45 : memref<1x640x128xf32, #tpu.memory_space<hbm>> -> memref<640x128xf32, #tpu.memory_space<hbm>>
      %dma_wait3A_47 = arith.constant 0 : i32
      %dma_wait3A_48 = tpu.memref_slice %arg13[%mul3A_38, %dma_wait3A_47] : memref<10240x128xf32, #tpu.memory_space<vmem_shared>> -> memref<640x128xf32, #tpu.memory_space<vmem_shared>>
      tpu.wait_dma2 semaphore(%run_scoped3A : memref<!tpu.dma_semaphore, #tpu.memory_space<semaphore_mem>>) src(%dma_wait3A_48 : memref<640x128xf32, #tpu.memory_space<vmem_shared>>) dst(%dma_wait3A_46 : memref<640x128xf32, #tpu.memory_space<hbm>>)
      tpu.yield
    }) : () -> ()
    return
  }
}

module attributes {stable_mosaic.version = 14 : i64} {
  func.func @_prologue_body(%arg0: memref<256x256xf32, #tpu.memory_space<vmem>>, %arg1: memref<1024x256xf32, #tpu.memory_space<vmem>>, %arg2: memref<1x1024xf32, #tpu.memory_space<vmem>>, %arg3: memref<2x10240x16xf32, #tpu.memory_space<vmem>>, %arg4: memref<10240x256xf32, #tpu.memory_space<vmem>>, %arg5: memref<2x10240x128xf32, #tpu.memory_space<vmem>>, %arg6: memref<10240x1xf32, #tpu.memory_space<vmem>>) attributes {dimension_semantics = [], scalar_prefetch = 0 : i64, scratch_operands = 0 : i64, tpu.core_type = #tpu.core_type<tc>} {
    %get3A = arith.constant 0 : index
    %get3A_0 = arith.constant 0 : index
    %get3A_1 = vector.load %arg0[%get3A, %get3A_0] : memref<256x256xf32, #tpu.memory_space<vmem>>, vector<256x256xf32>
    %get3A_2 = arith.constant 0 : index
    %get3A_3 = arith.constant 0 : index
    %get3A_4 = vector.load %arg1[%get3A_2, %get3A_3] : memref<1024x256xf32, #tpu.memory_space<vmem>>, vector<1024x256xf32>
    %dot_general3A = arith.constant dense<0.000000e+00> : vector<256x1024xf32>
    %dot_general3A_5 = tpu.matmul %get3A_1, %get3A_4, %dot_general3A {dimension_numbers = #tpu.dot_dimension_numbers<[1], [1], [0], [0], [0, 0, 1, 0], [], []>, transpose_lhs_hint = false} : vector<256x256xf32>, vector<1024x256xf32>, vector<256x1024xf32> -> vector<256x1024xf32>
    %get3A_6 = arith.constant 0 : index
    %get3A_7 = arith.constant 0 : index
    %get3A_8 = vector.load %arg2[%get3A_6, %get3A_7] : memref<1x1024xf32, #tpu.memory_space<vmem>>, vector<1x1024xf32>
    %add3A = vector.broadcast %get3A_8 : vector<1x1024xf32> to vector<256x1024xf32>
    %add3A_9 = arith.addf %dot_general3A_5, %add3A : vector<256x1024xf32>
    %slice3A = vector.extract_strided_slice %add3A_9 {offsets = [0, 0], sizes = [256, 256], strides = [1, 1]} : vector<256x1024xf32> to vector<256x256xf32>
    %logistic3A = arith.negf %slice3A : vector<256x256xf32>
    %logistic3A_10 = math.exp %logistic3A : vector<256x256xf32>
    %logistic3A_11 = arith.constant 1.000000e+00 : f32
    %logistic3A_12 = vector.broadcast %logistic3A_11 : f32 to vector<256x256xf32>
    %logistic3A_13 = arith.addf %logistic3A_12, %logistic3A_10 : vector<256x256xf32>
    %logistic3A_14 = arith.divf %logistic3A_12, %logistic3A_13 : vector<256x256xf32>
    %slice3A_15 = vector.extract_strided_slice %add3A_9 {offsets = [0, 512], sizes = [256, 256], strides = [1, 1]} : vector<256x1024xf32> to vector<256x256xf32>
    %tanh3A = math.tanh %slice3A_15 : vector<256x256xf32>
    %slice3A_16 = vector.extract_strided_slice %add3A_9 {offsets = [0, 768], sizes = [256, 256], strides = [1, 1]} : vector<256x1024xf32> to vector<256x256xf32>
    %logistic3A_17 = arith.negf %slice3A_16 : vector<256x256xf32>
    %logistic3A_18 = math.exp %logistic3A_17 : vector<256x256xf32>
    %logistic3A_19 = arith.constant 1.000000e+00 : f32
    %logistic3A_20 = vector.broadcast %logistic3A_19 : f32 to vector<256x256xf32>
    %logistic3A_21 = arith.addf %logistic3A_20, %logistic3A_18 : vector<256x256xf32>
    %logistic3A_22 = arith.divf %logistic3A_20, %logistic3A_21 : vector<256x256xf32>
    %mul3A = arith.mulf %logistic3A_14, %tanh3A : vector<256x256xf32>
    %tanh3A_23 = math.tanh %mul3A : vector<256x256xf32>
    %mul3A_24 = arith.mulf %logistic3A_22, %tanh3A_23 : vector<256x256xf32>
    %get3A_25 = arith.constant 0 : index
    %get3A_26 = arith.constant 0 : index
    %get3A_27 = arith.constant 0 : index
    %get3A_28 = vector.load %arg3[%get3A_25, %get3A_26, %get3A_27] : memref<2x10240x16xf32, #tpu.memory_space<vmem>>, vector<1x10240x1xf32>
    %get3A_29 = vector.shape_cast %get3A_28 : vector<1x10240x1xf32> to vector<10240x1xf32>
    %get3A_30 = arith.constant 1 : index
    %get3A_31 = arith.constant 0 : index
    %get3A_32 = arith.constant 0 : index
    %get3A_33 = vector.load %arg3[%get3A_30, %get3A_31, %get3A_32] : memref<2x10240x16xf32, #tpu.memory_space<vmem>>, vector<1x10240x1xf32>
    %get3A_34 = vector.shape_cast %get3A_33 : vector<1x10240x1xf32> to vector<10240x1xf32>
    %add3A_35 = arith.addf %get3A_29, %get3A_34 : vector<10240x1xf32>
    %add3A_36 = arith.constant 2.000000e+00 : f32
    %add3A_37 = vector.broadcast %add3A_36 : f32 to vector<10240x1xf32>
    %add3A_38 = arith.addf %add3A_35, %add3A_37 : vector<10240x1xf32>
    %rsqrt3A = math.rsqrt %add3A_38 : vector<10240x1xf32>
    %swap3A = arith.constant 0 : index
    %swap3A_39 = arith.constant 0 : index
    %swap3A_40 = vector.load %arg6[%swap3A, %swap3A_39] : memref<10240x1xf32, #tpu.memory_space<vmem>>, vector<10240x1xf32>
    tpu.vector_store %arg6[%swap3A, %swap3A_39], %rsqrt3A {strides = array<i32>} : memref<10240x1xf32, #tpu.memory_space<vmem>>, vector<10240x1xf32>,
    %get3A_41 = arith.constant 0 : index
    %get3A_42 = arith.constant 0 : index
    %get3A_43 = vector.load %arg4[%get3A_41, %get3A_42] : memref<10240x256xf32, #tpu.memory_space<vmem>>, vector<10240x256xf32>
    %mul3A_44 = vector.broadcast %rsqrt3A : vector<10240x1xf32> to vector<10240x256xf32>
    %mul3A_45 = arith.mulf %get3A_43, %mul3A_44 : vector<10240x256xf32>
    %slice3A_46 = vector.extract_strided_slice %mul3A_24 {offsets = [0, 0], sizes = [256, 128], strides = [1, 1]} : vector<256x256xf32> to vector<256x128xf32>
    %dot_general3A_47 = arith.constant dense<0.000000e+00> : vector<10240x128xf32>
    %dot_general3A_48 = tpu.matmul %mul3A_45, %slice3A_46, %dot_general3A_47 {dimension_numbers = #tpu.dot_dimension_numbers<[1], [0], [0], [1], [0, 0, 1, 1], [], []>, transpose_lhs_hint = false} : vector<10240x256xf32>, vector<256x128xf32>, vector<10240x128xf32> -> vector<10240x128xf32>
    %swap3A_49 = arith.constant 0 : index
    %swap3A_50 = arith.constant 0 : index
    %swap3A_51 = arith.constant 0 : index
    %swap3A_52 = vector.load %arg5[%swap3A_49, %swap3A_50, %swap3A_51] : memref<2x10240x128xf32, #tpu.memory_space<vmem>>, vector<1x10240x128xf32>
    %swap3A_53 = vector.shape_cast %swap3A_52 : vector<1x10240x128xf32> to vector<10240x128xf32>
    %swap3A_54 = vector.shape_cast %dot_general3A_48 : vector<10240x128xf32> to vector<1x10240x128xf32>
    tpu.vector_store %arg5[%swap3A_49, %swap3A_50, %swap3A_51], %swap3A_54 {strides = array<i32>} : memref<2x10240x128xf32, #tpu.memory_space<vmem>>, vector<1x10240x128xf32>,
    %slice3A_55 = vector.extract_strided_slice %mul3A_24 {offsets = [0, 128], sizes = [256, 128], strides = [1, 1]} : vector<256x256xf32> to vector<256x128xf32>
    %dot_general3A_56 = arith.constant dense<0.000000e+00> : vector<10240x128xf32>
    %dot_general3A_57 = tpu.matmul %mul3A_45, %slice3A_55, %dot_general3A_56 {dimension_numbers = #tpu.dot_dimension_numbers<[1], [0], [0], [1], [0, 0, 1, 1], [], []>, transpose_lhs_hint = false} : vector<10240x256xf32>, vector<256x128xf32>, vector<10240x128xf32> -> vector<10240x128xf32>
    %swap3A_58 = arith.constant 1 : index
    %swap3A_59 = arith.constant 0 : index
    %swap3A_60 = arith.constant 0 : index
    %swap3A_61 = vector.load %arg5[%swap3A_58, %swap3A_59, %swap3A_60] : memref<2x10240x128xf32, #tpu.memory_space<vmem>>, vector<1x10240x128xf32>
    %swap3A_62 = vector.shape_cast %swap3A_61 : vector<1x10240x128xf32> to vector<10240x128xf32>
    %swap3A_63 = vector.shape_cast %dot_general3A_57 : vector<10240x128xf32> to vector<1x10240x128xf32>
    tpu.vector_store %arg5[%swap3A_58, %swap3A_59, %swap3A_60], %swap3A_63 {strides = array<i32>} : memref<2x10240x128xf32, #tpu.memory_space<vmem>>, vector<1x10240x128xf32>,
    return
  }
}

module attributes {stable_mosaic.version = 14 : i64} {
  func.func @_epilogue_body(%arg0: memref<2x10240x128xf32, #tpu.memory_space<vmem>>, %arg1: memref<2x10240x128xf32, #tpu.memory_space<vmem>>, %arg2: memref<10240x1xf32, #tpu.memory_space<vmem>>, %arg3: memref<2x128xf32, #tpu.memory_space<vmem>>, %arg4: memref<256x128xf32, #tpu.memory_space<vmem>>, %arg5: memref<1x1xf32, #tpu.memory_space<vmem>>, %arg6: memref<10240x1xf32, #tpu.memory_space<vmem>>) attributes {dimension_semantics = [], scalar_prefetch = 0 : i64, scratch_operands = 0 : i64, tpu.core_type = #tpu.core_type<tc>} {
    %get3A = arith.constant 0 : index
    %get3A_0 = arith.constant 0 : index
    %get3A_1 = vector.load %arg2[%get3A, %get3A_0] : memref<10240x1xf32, #tpu.memory_space<vmem>>, vector<10240x1xf32>
    %get3A_2 = arith.constant 0 : index
    %get3A_3 = arith.constant 0 : index
    %get3A_4 = arith.constant 0 : index
    %get3A_5 = vector.load %arg0[%get3A_2, %get3A_3, %get3A_4] : memref<2x10240x128xf32, #tpu.memory_space<vmem>>, vector<1x10240x128xf32>
    %get3A_6 = vector.shape_cast %get3A_5 : vector<1x10240x128xf32> to vector<10240x128xf32>
    %mul3A = vector.broadcast %get3A_1 : vector<10240x1xf32> to vector<10240x128xf32>
    %mul3A_7 = arith.mulf %mul3A, %get3A_6 : vector<10240x128xf32>
    %mul3A_8 = arith.constant 2.000000e+00 : f32
    %mul3A_9 = vector.broadcast %mul3A_8 : f32 to vector<10240x1xf32>
    %mul3A_10 = arith.mulf %mul3A_9, %get3A_1 : vector<10240x1xf32>
    %get3A_11 = arith.constant 0 : index
    %get3A_12 = arith.constant 0 : index
    %get3A_13 = arith.constant 0 : index
    %get3A_14 = vector.load %arg1[%get3A_11, %get3A_12, %get3A_13] : memref<2x10240x128xf32, #tpu.memory_space<vmem>>, vector<1x10240x128xf32>
    %get3A_15 = vector.shape_cast %get3A_14 : vector<1x10240x128xf32> to vector<10240x128xf32>
    %mul3A_16 = vector.broadcast %mul3A_10 : vector<10240x1xf32> to vector<10240x128xf32>
    %mul3A_17 = arith.mulf %mul3A_16, %get3A_15 : vector<10240x128xf32>
    %add3A = arith.addf %mul3A_7, %mul3A_17 : vector<10240x128xf32>
    %get3A_18 = arith.constant 0 : index
    %get3A_19 = arith.constant 0 : index
    %get3A_20 = vector.load %arg3[%get3A_18, %get3A_19] : memref<2x128xf32, #tpu.memory_space<vmem>>, vector<1x128xf32>
    %add3A_21 = vector.broadcast %get3A_20 : vector<1x128xf32> to vector<10240x128xf32>
    %add3A_22 = arith.addf %add3A, %add3A_21 : vector<10240x128xf32>
    %max3A = arith.constant 0.000000e+00 : f32
    %max3A_23 = vector.broadcast %max3A : f32 to vector<10240x128xf32>
    %max3A_24 = arith.maximumf %add3A_22, %max3A_23 : vector<10240x128xf32>
    %get3A_25 = arith.constant 1 : index
    %get3A_26 = arith.constant 0 : index
    %get3A_27 = arith.constant 0 : index
    %get3A_28 = vector.load %arg0[%get3A_25, %get3A_26, %get3A_27] : memref<2x10240x128xf32, #tpu.memory_space<vmem>>, vector<1x10240x128xf32>
    %get3A_29 = vector.shape_cast %get3A_28 : vector<1x10240x128xf32> to vector<10240x128xf32>
    %mul3A_30 = vector.broadcast %get3A_1 : vector<10240x1xf32> to vector<10240x128xf32>
    %mul3A_31 = arith.mulf %mul3A_30, %get3A_29 : vector<10240x128xf32>
    %mul3A_32 = arith.constant 2.000000e+00 : f32
    %mul3A_33 = vector.broadcast %mul3A_32 : f32 to vector<10240x1xf32>
    %mul3A_34 = arith.mulf %mul3A_33, %get3A_1 : vector<10240x1xf32>
    %get3A_35 = arith.constant 1 : index
    %get3A_36 = arith.constant 0 : index
    %get3A_37 = arith.constant 0 : index
    %get3A_38 = vector.load %arg1[%get3A_35, %get3A_36, %get3A_37] : memref<2x10240x128xf32, #tpu.memory_space<vmem>>, vector<1x10240x128xf32>
    %get3A_39 = vector.shape_cast %get3A_38 : vector<1x10240x128xf32> to vector<10240x128xf32>
    %mul3A_40 = vector.broadcast %mul3A_34 : vector<10240x1xf32> to vector<10240x128xf32>
    %mul3A_41 = arith.mulf %mul3A_40, %get3A_39 : vector<10240x128xf32>
    %add3A_42 = arith.addf %mul3A_31, %mul3A_41 : vector<10240x128xf32>
    %get3A_43 = arith.constant 1 : index
    %get3A_44 = arith.constant 0 : index
    %get3A_45 = vector.load %arg3[%get3A_43, %get3A_44] : memref<2x128xf32, #tpu.memory_space<vmem>>, vector<1x128xf32>
    %add3A_46 = vector.broadcast %get3A_45 : vector<1x128xf32> to vector<10240x128xf32>
    %add3A_47 = arith.addf %add3A_42, %add3A_46 : vector<10240x128xf32>
    %max3A_48 = arith.constant 0.000000e+00 : f32
    %max3A_49 = vector.broadcast %max3A_48 : f32 to vector<10240x128xf32>
    %max3A_50 = arith.maximumf %add3A_47, %max3A_49 : vector<10240x128xf32>
    %concatenate3A = tpu.concatenate %max3A_24, %max3A_50 in 1 : vector<10240x128xf32>, vector<10240x128xf32> -> vector<10240x256xf32>
    %get3A_51 = arith.constant 0 : index
    %get3A_52 = arith.constant 0 : index
    %get3A_53 = vector.load %arg4[%get3A_51, %get3A_52] : memref<256x128xf32, #tpu.memory_space<vmem>>, vector<256x128xf32>
    %dot_general3A = arith.constant dense<0.000000e+00> : vector<10240x128xf32>
    %dot_general3A_54 = tpu.matmul %concatenate3A, %get3A_53, %dot_general3A {dimension_numbers = #tpu.dot_dimension_numbers<[1], [0], [0], [1], [0, 0, 1, 1], [], []>, transpose_lhs_hint = false} : vector<10240x256xf32>, vector<256x128xf32>, vector<10240x128xf32> -> vector<10240x128xf32>
    %slice3A = vector.extract_strided_slice %dot_general3A_54 {offsets = [0, 0], sizes = [10240, 1], strides = [1, 1]} : vector<10240x128xf32> to vector<10240x1xf32>
    %get3A_55 = arith.constant 0 : index
    %get3A_56 = arith.constant 0 : index
    %get3A_57 = vector.load %arg5[%get3A_55, %get3A_56] : memref<1x1xf32, #tpu.memory_space<vmem>>, vector<1x1xf32>
    %get3A_58 = vector.extract %get3A_57[0, 0] : f32 from vector<1x1xf32>
    %add3A_59 = vector.broadcast %get3A_58 : f32 to vector<10240x1xf32>
    %add3A_60 = arith.addf %slice3A, %add3A_59 : vector<10240x1xf32>
    %swap3A = arith.constant 0 : index
    %swap3A_61 = arith.constant 0 : index
    %swap3A_62 = vector.load %arg6[%swap3A, %swap3A_61] : memref<10240x1xf32, #tpu.memory_space<vmem>>, vector<10240x1xf32>
    tpu.vector_store %arg6[%swap3A, %swap3A_61], %add3A_60 {strides = array<i32>} : memref<10240x1xf32, #tpu.memory_space<vmem>>, vector<10240x1xf32>,
    return
  }
}

</mosaic_0001>

<sc_bundles>
// kernel: kernel.6.cloned.1.call-start
scs
__scs_entry_jumppad:
0x0: {  	(pc) =	sbr.rel $0x88, $3  }
0x1: {  	(tag) =	ssettag $0x0;
	lr =	simm.s32 $0x1  }
0x2: {  	[smem:$0x3F97] =	sst lr;
	_ =	strace $0xD0000000  }
0x3: {  	_ = 	snop  }
0x4: {  	_ = 	snop  }
0x5: {  	_ = 	snop  }
0x6: {  	_ = 	snop  }
0x7: {  	_ = 	snop  }
__scs_overlays_trampoline_lowered:
0x8: {  	[smem:$0x3FA6] =	sst s0  }
0x9: {  	[smem:$0x3FA7] =	sst s1  }
0xa: {  	[smem:$0x3FA8] =	sst s2  }
0xb: {  	[smem:$0x3FA9] =	sst s3  }
0xc: {  	[smem:$0x3FAA] =	sst s4  }
0xd: {  	[smem:$0x3FAB] =	sst s5  }
0xe: {  	[smem:$0x3FAC] =	sst s6  }
0xf: {  	[smem:$0x3FAD] =	sst s7  }
0x10: {  	[smem:$0x3FAE] =	sst s8  }
0x11: {  	[smem:$0x3FAF] =	sst s9;
	s0 =	simm.s32 @!p0 $0x0  }
0x12: {  	s1 =	sld [smem:$0x3F95];
	s0 =	simm.s32 @p0 $0x1  }
0x13: {  	[smem:$0x3FB0] =	sst s0;
	s0 =	simm.s32 @!p1 $0x0  }
0x14: {  	s2 =	sld [smem:$0x3F94];
	s0 =	simm.s32 @p1 $0x1  }
0x15: {  	[smem:$0x3FB1] =	sst s0;
	s0 =	simm.s32 @!p2 $0x0  }
0x16: {  	s3 =	sld [smem:$0x3FDB];
	s0 =	simm.s32 @p2 $0x1  }
0x17: {  	s4 =	simm.s32 $0x1BF5;
	[smem:$0x3FB3] =	sst s0  }
0x18: {  	s0 =	sld [smem:$0x3F96];
	_ =	swait.ge [sflag:s4], $0x0  }
0x19: {  	s7 =	sld [smem:$0x3F97]  }
0x1a: {  	s8 =	sadd.s32 $0xFFFFE003, lr  }
0x1b: {  	s9 =	sadd.s32 $0xFFFFFEF7, lr;
	s5 =	simm.s32 $0xFFFFFFFF;
	p2 =	slt.u32 s8, $0xFFFFF086  }
0x1c: {  	p1 =	slt.u32 s9, $0xF7A;
	s5 =	simm.s32 @!p2 $0x0  }
0x1d: {  	s5 =	simm.s32 @p1 $0x1;
	p0 =	seq.s32 s7, s2  }
0x1e: {  	s7 =	smul.u32 @!p0 $0xF7A, s2;
	p2 =	seq.s32 @!p0 s5, $0x0  }
0x1f: {  	s9 =	smul.u32 $0xF7A, s1;
	s8 =	simm.s32 @!p0 $0x1BF5;
	p2 =	por !p2, p0  }
0x20: {  	[sflag:s8] =	ssyncset.s32 @!p0 $0xFFFFF086;
	s6 =	sadd.s32 @!p0 s3, s7;
	s7 =	simm.s32 @!p0 $0x108  }
0x21: {  	s3 =	sadd.s32 s3, s9;
	s6 =	sadd.s32 @!p0 $0x88, s6;
	s7 =	simm.s32 @p2 $0x1082  }
0x22: {  	[simem:s7], [sflag:s8] =	dma.local @!p0 [hbm:s6], $0xF7A  }
0x23: {  	s9 =	sor.u32 $0xD0000000, s2;
	s6 =	simm.s32 $0x108;
	_ =	swait.ge @!p0 [sflag:s8], $0x0  }
0x24: {  	s3 =	sadd.s32 $0x88, s3;
	s6 =	simm.s32 @!p1 $0x1082;
	[sflag:s4] =	ssyncset.s32 $0xFFFFF086  }
0x25: {  	[simem:s6], [sflag:s4] =	dma.local [hbm:s3], $0xF7A  }
0x26: {  	[smem:$0x3F97] =	sst s1;
	(tag) =	ssettag s2;
	_ =	strace s9  }
0x27: {  	s1 =	sld [smem:$0x3FA7]  }
0x28: {  	s2 =	sld [smem:$0x3FA8]  }
0x29: {  	s4 =	sld [smem:$0x3FAA]  }
0x2a: {  	p0 =	seq.s32 s5, $0x0;
	s5 =	sld [smem:$0x3FAB]  }
0x2b: {  	s6 =	sld [smem:$0x3FAC]  }
0x2c: {  	s7 =	sld [smem:$0x3FAD]  }
0x2d: {  	s3 =	simm.s32 $0x108;
	s8 =	sld [smem:$0x3FAE]  }
0x2e: {  	s3 =	simm.s32 @!p0 $0x1082;
	s9 =	sld [smem:$0x3FAF]  }
0x2f: {  	lr =	sadd.s32 s0, s3;
	s0 =	sld [smem:$0x3FA6]  }
0x30: {  	s3 =	sld [smem:$0x3FA9]  }
0x31: {  	[smem:$0x3FB2] =	sst s10  }
0x32: {  	s10 =	sld [smem:$0x3FB0];
	_ =	sdelay $0x3  }
0x33: {  	p0 =	seq.s32 s10, $0x1;
	s10 =	sld [smem:$0x3FB2];
	_ =	sdelay $0x3  }
0x34: {  	[smem:$0x3FB2] =	sst s10  }
0x35: {  	s10 =	sld [smem:$0x3FB1];
	_ =	sdelay $0x3  }
0x36: {  	p1 =	seq.s32 s10, $0x1;
	s10 =	sld [smem:$0x3FB2];
	_ =	sdelay $0x3  }
0x37: {  	[smem:$0x3FB2] =	sst s10  }
0x38: {  	s10 =	sld [smem:$0x3FB3]  }
0x39: {  	_ = 	snop;
	(pc) =	sbr.ind lr, $3  }
0x3a: {  	_ = 	snop  }
0x3b: {  	_ = 	snop  }
0x3c: {  	p2 =	seq.s32 s10, $0x1;
	s10 =	sld [smem:$0x3FB2]  }
0x3d: {  	_ =	shalt  }
0x3e: {  	_ =	shalt  }
0x3f: {  	_ =	shalt  }
0x40: {  	_ =	shalt  }
0x41: {  	_ =	shalt  }
0x42: {  	_ =	shalt  }
0x43: {  	_ =	shalt  }
0x44: {  	_ =	shalt  }
0x45: {  	_ =	shalt  }
0x46: {  	_ =	shalt  }
0x47: {  	_ =	shalt  }
0x48: {  	_ =	shalt  }
0x49: {  	_ =	shalt  }
0x4a: {  	_ =	shalt  }
0x4b: {  	_ =	shalt  }
0x4c: {  	_ =	shalt  }
0x4d: {  	_ =	shalt  }
0x4e: {  	_ =	shalt  }
0x4f: {  	_ =	shalt  }
0x50: {  	_ =	shalt  }
0x51: {  	_ =	shalt  }
0x52: {  	_ =	shalt  }
0x53: {  	_ =	shalt  }
0x54: {  	_ =	shalt  }
0x55: {  	_ =	shalt  }
0x56: {  	_ =	shalt  }
0x57: {  	_ =	shalt  }
0x58: {  	_ =	shalt  }
0x59: {  	_ =	shalt  }
0x5a: {  	_ =	shalt  }
0x5b: {  	_ =	shalt  }
0x5c: {  	_ =	shalt  }
0x5d: {  	_ =	shalt  }
0x5e: {  	_ =	shalt  }
0x5f: {  	_ =	shalt  }
0x60: {  	_ =	shalt  }
0x61: {  	_ =	shalt  }
0x62: {  	_ =	shalt  }
0x63: {  	_ =	shalt  }
0x64: {  	_ =	shalt  }
0x65: {  	_ =	shalt  }
0x66: {  	_ =	shalt  }
0x67: {  	_ =	shalt  }
0x68: {  	_ =	shalt  }
0x69: {  	_ =	shalt  }
0x6a: {  	_ =	shalt  }
0x6b: {  	_ =	shalt  }
0x6c: {  	_ =	shalt  }
0x6d: {  	_ =	shalt  }
0x6e: {  	_ =	shalt  }
0x6f: {  	_ =	shalt  }
0x70: {  	_ =	shalt  }
0x71: {  	_ =	shalt  }
0x72: {  	_ =	shalt  }
0x73: {  	_ =	shalt  }
0x74: {  	_ =	shalt  }
0x75: {  	_ =	shalt  }
0x76: {  	_ =	shalt  }
0x77: {  	_ =	shalt  }
0x78: {  	_ =	shalt  }
0x79: {  	_ =	shalt  }
0x7a: {  	_ =	shalt  }
0x7b: {  	_ =	shalt  }
0x7c: {  	_ =	shalt  }
0x7d: {  	_ =	shalt  }
0x7e: {  	_ =	shalt  }
0x7f: {  	_ =	shalt  }
0x80: {  	_ =	shalt  }
0x81: {  	_ =	shalt  }
0x82: {  	_ =	shalt  }
0x83: {  	_ =	shalt  }
0x84: {  	_ =	shalt  }
0x85: {  	_ =	shalt  }
0x86: {  	_ =	shalt  }
0x87: {  	_ =	shalt  }
.Lfunc_end0:
.L_simem_size_0:
called_computation_lowered:
.L_overlay_start_0:
0x88: {  	s2 =	sld [smem:$0x3FD9]  }
0x89: {  	s3 =	sld [smem:$0x3FFE];
	_ =	sdelay $0x1  }
0x8a: {  	s1 =	srdreg.scid  }
0x8b: {  	s0 =	sand.u32 $0x1, s1  }
0x8c: {  	s16 =	sshll.u32 s0, $0xA;
	s2 =	sadd.s32 s3, s2  }
0x8d: {  	s2 =	sadd.s32 s2, s16  }
0x8e: {  	[smem:$0x3FBE] =	sst s2  }
0x8f: {  	_ = 	snop  }
0x90: {  	(tm) =	ssettm $0x1  }
0x91: {  	s17 =	sld [smem:$0x3FFB];
	_ =	sdelay $0x3  }
0x92: {  	_ =	strace s17  }
0x93: {  	s2 =	sld [smem:$0x3FFC];
	_ =	sdelay $0x3  }
0x94: {  	_ =	strace s2  }
0x95: {  	s2 =	sld [smem:$0x3FFD];
	_ =	sdelay $0x3  }
0x96: {  	_ =	strace s2  }
0x97: {  	_ =	strace $0x8FFFFFFF  }
0x98: {  	s18 =	sld [smem:$0x3FDB];
	_ =	sdelay $0x1  }
0x99: {  	s19 =	simm.s32 $_scs_section_size  }
0x9a: {  	s4 =	simm.s32 $_size__tile_overlayer_lowered;
	s5 =	simm.s32 $_tile_overlayer_lowered  }
0x9b: {  	s22 =	simm.s32 $0x1BFF;
	s21 =	sshll.u32 s5, $0x1;
	s2 =	sadd.s32 s19, s18  }
0x9c: {  	s6 =	simm.s32 $0x0;
	s20 =	sshll.u32 s4, $0x1;
	s4 =	sadd.s32 s21, s2  }
0x9d: {  	[timem:s6], [sflag:s22] =	dma.local [hbm:s4], s20  }
0x9e: {  	_ =	swait.ge [sflag:s22], s20  }
0x9f: {  	s3 =	ssub.s32 $0x0, s20;
	[sflag:s22] =	ssyncset.done $0x0  }
0xa0: {  	[sflag:s22] =	ssyncadd.s32 s3;
	_ =	sdelay $0x1  }
0xa1: {  	s23 =	simm.s32 $0x1B8B  }
0xa2: {  	_ =	swait.ge [sflag:s23], $0x1  }
0xa3: {  	[sflag:s23] =	ssyncset.done $0x0  }
0xa4: {  	s25 =	simm.s32 $0x1B8E;
	s24 =	sld [smem:$0x3FFE];
	[sflag:s23] =	ssyncadd.s32 $0xFFFFFFFF  }
0xa5: {  	s26 =	simm.s32 $execute0_lowered;
	[smem:$0x3FD2] =	sst s25  }
0xa6: {  	s4 =	sshll.u32 s26, $0x1;
	_ =	strace $0x80000046;
	[dreg:$0x1] =	wrdreg $0xFFFFFFFF  }
0xa7: {  	s28 =	simm.s32 $_size_execute0_lowered;
	s2 =	sadd.s32 s2, s4;
	[dreg:$0x0] =	wrdreg $0x0  }
0xa8: {  	s4 =	sshll.u32 s28, $0x1;
	[dreg:$0x2] =	wrdreg s2  }
0xa9: {  	[dreg:$0x3] =	wrdreg s4  }
0xaa: {  	[dreg:$0x4] =	wrdreg $0xC0  }
0xab: {  	_ =	task [dreg:s6], $0x5FFFF  }
0xac: {  	[dreg:$0x1] =	wrdreg $0xFFFFFFFF  }
0xad: {  	[dreg:$0x0] =	wrdreg $0x60  }
0xae: {  	[dreg:$0x2] =	wrdreg s24  }
0xaf: {  	[dreg:$0x3] =	wrdreg $0x64000  }
0xb0: {  	[dreg:$0x4] =	wrdreg $0x9  }
0xb1: {  	_ =	task.clear_ibuf [dreg:s6], $0x5FFFF;
	_ =	strace $0x90000046  }
0xb2: {  	s29 =	simm.s32 $0x9;
	_ =	strace $0x80000048  }
0xb3: {  	_ =	swait.ge [sflag:s29], $0x1  }
0xb4: {  	[sflag:s29] =	ssyncadd.s32 $0xFFFFFFFF  }
0xb5: {  	_ =	strace $0x90000048  }
0xb6: {  	_ =	sfence  }
0xb7: {  	s30 =	sld [smem:$0x0];
	_ =	sdelay $0x2  }
0xb8: {  	s31 =	sshll.u32 s1, $0xD;
	s1 =	sshrl.u32 s1, $0x2  }
0xb9: {  	s3 =	sand.u32 $0x4000, s31;
	s1 =	sadd.s32 s1, s30  }
0xba: {  	s0 =	sor.u32 s3, s0;
	s1 =	sshll.u32 s1, $0x11  }
0xbb: {  	s0 =	sor.u32 s1, s0  }
0xbc: {  	s0 =	sadd.s32 $0x8F2B, s0  }
0xbd: {  	[sflag:s0] =	ssyncadd.remote.s32 $0x1  }
0xbe: {  	_ =	sfence.sel $0xFFFF  }
0xbf: {  	[dreg:$0x0] =	wrdreg $0xFFFFFFFF;
	(pc) =	sbr.abs _section_cstart, $3  }
0xc0: {  	[dreg:$0x1] =	wrdreg $0xFFFFFFFF  }
0xc1: {  	_ =	task.clear_ibuf [dreg:s6], $0x2FFFF;
	_ =	strace $0x9FFFFFFF  }
0xc2: {  	(tm) =	ssettm $0x7FFFFFFF  }
0xc3: {  	_ =	shalt  }
tec
execute0_lowered:
.L_overlay_start_1:
0x0: {  	(tag) =	ssettag $0x1  }
0x1: {  	s1 =	srdreg.scid;
	s5 =	rddreg [dreg:$0x0]  }
0x2: {  	s0 =	stileid.u32;
	s2 =	rddreg [dreg:$0x1];
	s14 =	simm.s32 $0x1  }
0x3: {  	s15 =	simm.s32 $0x80;
	s16 =	simm.s32 $0x400;
	s17 =	simm.s32 $0x1800  }
0x4: {  	s18 =	simm.s32 $0x2C00;
	s19 =	simm.s32 $0x70;
	s22 =	simm.s32 $0x0  }
0x5: {  	s4 =	sand.u32 $0x1, s1;
	s26 =	sshll.u32 s0, $0x1;
	s10 =	smul.u32 $0x14000, s0  }
0x6: {  	s3 =	sshrl.u32 s0, $0x2;
	s1 =	rddreg [dreg:$0x2];
	s29 =	smul.u32 $0x50000, s0  }
0x7: {  	s20 =	sshll.u32 s0, $0x6;
	s6 =	sor.u32 s4, s26;
	s8 =	smul.u32 $0xA000, s3  }
0x8: {  	s3 =	simm.s32 $0x0;
	s9 =	smul.u32 $0x140000, s4;
	s4 =	ssub.s32 $0x2, s4  }
0x9: {  	s20 =	sor.u32 $0x1C01, s20;
	s7 =	smul.u32 $0x300, s6;
	s6 =	sshll.u32 s6, $0x7  }
0xa: {  	[smem:$0x7FF] =	sst s3;
	s30 =	sshrl.u32 s4, $0x1;
	s31 =	sshrl.u32 s29, $0x2  }
0xb: {  	s6 =	sand.u32 $0x380, s6;
	_ =	strace $0x80000047;
	s28 =	sadd.s32 s10, s9  }
0xc: {  	s13 =	ssub.s32 s4, s30;
	s7 =	sadd.s32 s7, s5;
	s6 =	sor.u32 s8, s6  }
0xd: {  	s8 =	sshrl.u32 s28, $0x3;
	s13 =	smax.u32 s13, $0x1;
	s6 =	sshrl.u32 s6, $0x3  }
0xe: {  	s12 =	sadd.s32 s8, s5;
	s4 =	sadd.s32 $0x1C00, s7;
	s6 =	sadd.s32 s6, s5  }
0xf: {  	s5 =	sadd.s32 s31, s2;
	s12 =	sadd.s32 $0xCC00, s12;
	s6 =	sadd.s32 $0x7C00, s6  }
0x10: {  	s7 =	sadd.s32 $0x3800, s5;
	s8 =	sadd.s32 $0x7000, s5;
	s9 =	sadd.s32 $0xA800, s5  }
0x11: {  	v0 =	vimm.f32 $0.0e+00;
	s10 =	sadd.s32 $0xE000, s5;
	s11 =	sadd.s32 $0x11800, s5;
	s21 =	sshrl.u32 s5, $0x3  }
.LBB2_1:
0x12: {  	[tilespmem:s3], [sflag:$0x1] =	stream.linear.gather [hbm4b:s4+s3], $0x1680, $0x38;
	[tilespmem:$0x8C00] =	vst v63  }
0x13: {  	_ =	swait.ge [sflag:s14], $0x1680  }
0x14: {  	[sflag:s14] =	ssyncset.done $0x0  }
0x15: {  	[sflag:s14] =	ssyncadd.s32 $0xFFFFE980  }
0x16: {  	[tilespmem:s17], [sflag:$0x1] =	stream.strided.gather [hbm4b:s6+s15], $0x1400, s16, s15, $0x38;
	[tilespmem:$0x8C00] =	vst v63  }
0x17: {  	_ =	swait.ge [sflag:s14], $0x1400  }
0x18: {  	[sflag:s14] =	ssyncset.done $0x0  }
0x19: {  	s23 =	simm.s32 $0x200;
	s24 =	simm.s32 $0x0;
	[sflag:s14] =	ssyncadd.s32 $0xFFFFEC00  }
.LBB2_2:
0x1a: {  	p0 =	sne.s32 s23, $0xDE00;
	[tilespmem:s24+$0x2C00] =	vst v0;
	s24 =	smov.u32 s23;
	s23 =	sadd.s32 $0x200, s23  }
.Ltmp0:
0x1b: {  	(pc) =	sbr.rel @p0 .LBB2_2-.Ltmp0, $2  }
0x1c: {  	_ =	sdelay $0x2  }
0x1d: {  	s24 =	sshra.s32 s24, $0x2  }
0x1e: {  	[tilespmem:s24+$0x2C00] =	vst v0  }
0x1f: {  	[spmem:s5] =	stream.linear.scatter [tilespmem:s18], [sflag:$0x1], $0x3800, $0x38;
	[tilespmem:$0x8C00] =	vst v63  }
0x20: {  	_ =	swait.ge [sflag:s14], $0x3800  }
0x21: {  	[sflag:s14] =	ssyncset.done $0x0  }
0x22: {  	[sflag:s14] =	ssyncadd.s32 $0xFFFFC800  }
0x23: {  	[spmem:s7] =	stream.linear.scatter [tilespmem:s18], [sflag:$0x1], $0x3800, $0x38;
	[tilespmem:$0x8C00] =	vst v63  }
0x24: {  	_ =	swait.ge [sflag:s14], $0x3800  }
0x25: {  	[sflag:s14] =	ssyncset.done $0x0  }
0x26: {  	[sflag:s14] =	ssyncadd.s32 $0xFFFFC800  }
0x27: {  	[spmem:s8] =	stream.linear.scatter [tilespmem:s18], [sflag:$0x1], $0x3800, $0x38;
	[tilespmem:$0x8C00] =	vst v63  }
0x28: {  	_ =	swait.ge [sflag:s14], $0x3800  }
0x29: {  	[sflag:s14] =	ssyncset.done $0x0  }
0x2a: {  	[sflag:s14] =	ssyncadd.s32 $0xFFFFC800  }
0x2b: {  	[spmem:s9] =	stream.linear.scatter [tilespmem:s18], [sflag:$0x1], $0x3800, $0x38;
	[tilespmem:$0x8C00] =	vst v63  }
0x2c: {  	_ =	swait.ge [sflag:s14], $0x3800  }
0x2d: {  	[sflag:s14] =	ssyncset.done $0x0  }
0x2e: {  	[sflag:s14] =	ssyncadd.s32 $0xFFFFC800  }
0x2f: {  	[spmem:s10] =	stream.linear.scatter [tilespmem:s18], [sflag:$0x1], $0x3800, $0x38;
	[tilespmem:$0x8C00] =	vst v63  }
0x30: {  	_ =	swait.ge [sflag:s14], $0x3800  }
0x31: {  	[sflag:s14] =	ssyncset.done $0x0  }
0x32: {  	[sflag:s14] =	ssyncadd.s32 $0xFFFFC800  }
0x33: {  	[spmem:s11] =	stream.linear.scatter [tilespmem:s18], [sflag:$0x1], $0x2800, $0x38;
	[tilespmem:$0x8C00] =	vst v63  }
0x34: {  	_ =	swait.ge [sflag:s14], $0x2800  }
0x35: {  	[sflag:s14] =	ssyncset.done $0x0  }
0x36: {  	[sflag:s14] =	ssyncadd.s32 $0xFFFFD800  }
0x37: {  	s23 =	simm.s32 $0x0;
	s24 =	simm.s32 $0x0;
	[bflag:$0x0] =	sbarrier.arrive $0xFFFF  }
.LBB2_4:
0x38: {  	s26 =	sadd.s32 $0xFFFFFFF9, s23  }
0x39: {  	s25 =	sadd.s32 $0x7, s26  }
0x3a: {  	v1 =	vmov s25;
	_ =	sdelay $0x4  }
0x3b: {  	s30 =	sadd.s32 $0x8, s26;
	v1 =	vld.idx.msk [tilespmem:v1+s17+$0x0], $0xffff  }
0x3c: {  	v2 =	vmov s30;
	_ =	sdelay $0x2  }
0x3d: {  	s25 =	simm.s32 $0x2D80  }
0x3e: {  	[tilespmem:s25+$0xFFFFFE80] =	vst v1  }
0x3f: {  	s28 =	sadd.s32 $0x9, s26;
	v1 =	vld.idx.msk [tilespmem:v2+s17+$0x0], $0xffff  }
0x40: {  	v2 =	vmov s28;
	_ =	sdelay $0x3  }
0x41: {  	[tilespmem:s25+$0xFFFFFF00] =	vst v1  }
0x42: {  	s31 =	sadd.s32 $0xA, s26;
	v1 =	vld.idx.msk [tilespmem:v2+s17+$0x0], $0xffff  }
0x43: {  	v2 =	vmov s31;
	_ =	sdelay $0x3  }
0x44: {  	[tilespmem:s25+$0xFFFFFF80] =	vst v1  }
0x45: {  	s29 =	sadd.s32 $0xB, s26;
	v1 =	vld.idx.msk [tilespmem:v2+s17+$0x0], $0xffff  }
0x46: {  	v2 =	vmov s29;
	_ =	sdelay $0x3  }
0x47: {  	[tilespmem:s25+$0x0] =	vst v1  }
0x48: {  	s30 =	sadd.s32 $0xC, s26;
	v1 =	vld.idx.msk [tilespmem:v2+s17+$0x0], $0xffff  }
0x49: {  	v2 =	vmov s30;
	_ =	sdelay $0x3  }
0x4a: {  	[tilespmem:s25+$0x80] =	vst v1  }
0x4b: {  	s31 =	sadd.s32 $0xD, s26;
	v2 =	vld.idx.msk [tilespmem:v2+s17+$0x0], $0xffff  }
0x4c: {  	v1 =	vmov s31;
	_ =	sdelay $0x3  }
0x4d: {  	s26 =	simm.s32 $0x0;
	[tilespmem:s25+$0x100] =	vst v2  }
.LBB2_5:
0x4e: {  	s28 =	sadd.s32 s26, s23;
	s26 =	sadd.s32 $0x7, s26;
	v1 =	vld.idx.msk [tilespmem:v1+s17+$0x0], $0xffff  }
0x4f: {  	s29 =	sadd.s32 $0x7, s28;
	p0 =	slt.u32 s26, $0x69  }
0x50: {  	v2 =	vmov s29;
	_ =	sdelay $0x3  }
0x51: {  	[tilespmem:s25+$0x180] =	vst v1  }
0x52: {  	v1 =	vld.idx.msk [tilespmem:v2+s17+$0x0], $0xffff  }
0x53: {  	s29 =	sadd.s32 $0x8, s28  }
0x54: {  	v2 =	vmov s29;
	_ =	sdelay $0x2  }
0x55: {  	s25 =	sadd.s32 $0x380, s25  }
0x56: {  	[tilespmem:s25+$0xFFFFFE80] =	vst v1  }
0x57: {  	v1 =	vld.idx.msk [tilespmem:v2+s17+$0x0], $0xffff  }
0x58: {  	s29 =	sadd.s32 $0x9, s28  }
0x59: {  	v2 =	vmov s29;
	_ =	sdelay $0x3  }
0x5a: {  	[tilespmem:s25+$0xFFFFFF00] =	vst v1  }
0x5b: {  	v1 =	vld.idx.msk [tilespmem:v2+s17+$0x0], $0xffff  }
0x5c: {  	s29 =	sadd.s32 $0xA, s28  }
0x5d: {  	v2 =	vmov s29;
	_ =	sdelay $0x3  }
0x5e: {  	[tilespmem:s25+$0xFFFFFF80] =	vst v1  }
0x5f: {  	v1 =	vld.idx.msk [tilespmem:v2+s17+$0x0], $0xffff  }
0x60: {  	s29 =	sadd.s32 $0xB, s28  }
0x61: {  	v2 =	vmov s29;
	_ =	sdelay $0x3  }
0x62: {  	[tilespmem:s25+$0x0] =	vst v1  }
0x63: {  	v1 =	vld.idx.msk [tilespmem:v2+s17+$0x0], $0xffff  }
0x64: {  	s29 =	sadd.s32 $0xC, s28  }
0x65: {  	v2 =	vmov s29;
	_ =	sdelay $0x3  }
0x66: {  	[tilespmem:s25+$0x80] =	vst v1  }
0x67: {  	v2 =	vld.idx.msk [tilespmem:v2+s17+$0x0], $0xffff  }
0x68: {  	s28 =	sadd.s32 $0xD, s28  }
.Ltmp1:
0x69: {  	v1 =	vmov s28;
	(pc) =	sbr.rel @p0 .LBB2_5-.Ltmp1, $2  }
0x6a: {  	_ =	sdelay $0x2  }
0x6b: {  	[tilespmem:s25+$0x100] =	vst v2  }
0x6c: {  	_ =	sdelay $0x3  }
0x6d: {  	v1 =	vld.idx.msk [tilespmem:v1+s17+$0x0], $0xffff;
	_ =	sdelay $0x2  }
0x6e: {  	s26 =	sshll.u32 s24, $0x7;
	s24 =	sadd.s32 $0x1, s24  }
0x6f: {  	p0 =	sne.s32 s24, $0x2D  }
.Ltmp2:
0x70: {  	s31 =	sand.u32 $0x3FFFFF80, s26;
	[tilespmem:s25+$0x180] =	vst v1;
	(pc) =	sbr.rel @p0 .LBB2_4-.Ltmp2, $4  }
0x71: {  	[spmem:s2] =	stream.indirect.scatter.add.f32 [tilespmem:s18], [sflag:$0x1], $0x10, s31, s19, $0xb8;
	[tilespmem:$0x8C00] =	vst v63  }
0x72: {  	_ =	swait.ge [sflag:s14], $0x700  }
0x73: {  	[sflag:s14] =	ssyncset.done $0x0  }
0x74: {  	s23 =	sadd.s32 $0x70, s23;
	[sflag:s14] =	ssyncadd.s32 $0xFFFFF900  }
0x75: {  	s22 =	sadd.s32 $0x1, s22  }
0x76: {  	p0 =	sne.s32 s22, s13  }
.Ltmp3:
0x77: {  	[bflag:$0x0] =	sbarrier.arrive $0xFFFF;
	(pc) =	sbr.rel @p0 .LBB2_1-.Ltmp3, $4  }
0x78: {  	[hbm:s12], [sflag:s20] =	dma.local [spmem:s21], $0x2800  }
0x79: {  	_ =	swait.ge [sflag:s14], $0x2800  }
0x7a: {  	[sflag:s14] =	ssyncset.done $0x0  }
0x7b: {  	[sflag:s14] =	ssyncadd.s32 $0xFFFFD800  }
0x7c: {  	_ =	sfence.sel $0x180000  }
0x7d: {  	[bflag:$0x0] =	sbarrier.arrive $0xFFFF  }
0x7e: {  	p0 =	sne.s32 s0, $0x0;
	_ =	strace $0x90000047  }
0x7f: {  	s0 =	sadd.s32 @!p0 $0x100000, s1;
	[bflag:$0x2] =	sbarrier.arrive $0xFFFF  }
0x80: {  	[sflag:s0] =	ssyncadd.tile.s32 @!p0 $0x1;
	_ =	shalt  }
.Lfunc_end2:
_tile_overlayer_lowered:
.L_overlay_start_2:
0x81: {  	(tag) =	ssettag $0x2  }
0x82: {  	s0 =	rddreg [dreg:$0x0];
	s2 =	stileid.u32  }
0x83: {  	s1 =	rddreg [dreg:$0x1];
	p0 =	sne.s32 s2, $0x0  }
0x84: {  	s3 =	rddreg [dreg:$0x2];
	[bflag:$0x3] =	sbarrier.arrive $0xFFFF;
	s2 =	simm.s32 @!p0 $0x1C01  }
0x85: {  	[timem:s3], [sflag:s2] =	dma.local @!p0 [hbm:s0], s1  }
0x86: {  	s0 =	simm.s32 @!p0 $0x1  }
0x87: {  	_ =	swait.ge @!p0 [sflag:s0], s1  }
0x88: {  	s1 =	ssub.s32 @!p0 $0x0, s1;
	[sflag:s0] =	ssyncset.done @!p0 $0x0  }
0x89: {  	[sflag:s0] =	ssyncadd.s32 @!p0 s1  }
0x8a: {  	[bflag:$0x3] =	sbarrier.arrive $0xFFFF  }
0x8b: {  	_ =	shalt  }

// kernel: kernel.9.cloned.1.call-start
scs
__scs_entry_jumppad:
0x0: {  	(pc) =	sbr.rel $0x88, $3  }
0x1: {  	(tag) =	ssettag $0x0;
	lr =	simm.s32 $0x1  }
0x2: {  	[smem:$0x3F97] =	sst lr;
	_ =	strace $0xD0000000  }
0x3: {  	_ = 	snop  }
0x4: {  	_ = 	snop  }
0x5: {  	_ = 	snop  }
0x6: {  	_ = 	snop  }
0x7: {  	_ = 	snop  }
__scs_overlays_trampoline_lowered:
0x8: {  	[smem:$0x3FA6] =	sst s0  }
0x9: {  	[smem:$0x3FA7] =	sst s1  }
0xa: {  	[smem:$0x3FA8] =	sst s2  }
0xb: {  	[smem:$0x3FA9] =	sst s3  }
0xc: {  	[smem:$0x3FAA] =	sst s4  }
0xd: {  	[smem:$0x3FAB] =	sst s5  }
0xe: {  	[smem:$0x3FAC] =	sst s6  }
0xf: {  	[smem:$0x3FAD] =	sst s7  }
0x10: {  	[smem:$0x3FAE] =	sst s8  }
0x11: {  	[smem:$0x3FAF] =	sst s9;
	s0 =	simm.s32 @!p0 $0x0  }
0x12: {  	s1 =	sld [smem:$0x3F95];
	s0 =	simm.s32 @p0 $0x1  }
0x13: {  	[smem:$0x3FB0] =	sst s0;
	s0 =	simm.s32 @!p1 $0x0  }
0x14: {  	s2 =	sld [smem:$0x3F94];
	s0 =	simm.s32 @p1 $0x1  }
0x15: {  	[smem:$0x3FB1] =	sst s0;
	s0 =	simm.s32 @!p2 $0x0  }
0x16: {  	s3 =	sld [smem:$0x3FDB];
	s0 =	simm.s32 @p2 $0x1  }
0x17: {  	s4 =	simm.s32 $0x1BF5;
	[smem:$0x3FB3] =	sst s0  }
0x18: {  	s0 =	sld [smem:$0x3F96];
	_ =	swait.ge [sflag:s4], $0x0  }
0x19: {  	s7 =	sld [smem:$0x3F97]  }
0x1a: {  	s8 =	sadd.s32 $0xFFFFE003, lr  }
0x1b: {  	s9 =	sadd.s32 $0xFFFFFEF7, lr;
	s5 =	simm.s32 $0xFFFFFFFF;
	p2 =	slt.u32 s8, $0xFFFFF086  }
0x1c: {  	p1 =	slt.u32 s9, $0xF7A;
	s5 =	simm.s32 @!p2 $0x0  }
0x1d: {  	s5 =	simm.s32 @p1 $0x1;
	p0 =	seq.s32 s7, s2  }
0x1e: {  	s7 =	smul.u32 @!p0 $0xF7A, s2;
	p2 =	seq.s32 @!p0 s5, $0x0  }
0x1f: {  	s9 =	smul.u32 $0xF7A, s1;
	s8 =	simm.s32 @!p0 $0x1BF5;
	p2 =	por !p2, p0  }
0x20: {  	[sflag:s8] =	ssyncset.s32 @!p0 $0xFFFFF086;
	s6 =	sadd.s32 @!p0 s3, s7;
	s7 =	simm.s32 @!p0 $0x108  }
0x21: {  	s3 =	sadd.s32 s3, s9;
	s6 =	sadd.s32 @!p0 $0x88, s6;
	s7 =	simm.s32 @p2 $0x1082  }
0x22: {  	[simem:s7], [sflag:s8] =	dma.local @!p0 [hbm:s6], $0xF7A  }
0x23: {  	s9 =	sor.u32 $0xD0000000, s2;
	s6 =	simm.s32 $0x108;
	_ =	swait.ge @!p0 [sflag:s8], $0x0  }
0x24: {  	s3 =	sadd.s32 $0x88, s3;
	s6 =	simm.s32 @!p1 $0x1082;
	[sflag:s4] =	ssyncset.s32 $0xFFFFF086  }
0x25: {  	[simem:s6], [sflag:s4] =	dma.local [hbm:s3], $0xF7A  }
0x26: {  	[smem:$0x3F97] =	sst s1;
	(tag) =	ssettag s2;
	_ =	strace s9  }
0x27: {  	s1 =	sld [smem:$0x3FA7]  }
0x28: {  	s2 =	sld [smem:$0x3FA8]  }
0x29: {  	s4 =	sld [smem:$0x3FAA]  }
0x2a: {  	p0 =	seq.s32 s5, $0x0;
	s5 =	sld [smem:$0x3FAB]  }
0x2b: {  	s6 =	sld [smem:$0x3FAC]  }
0x2c: {  	s7 =	sld [smem:$0x3FAD]  }
0x2d: {  	s3 =	simm.s32 $0x108;
	s8 =	sld [smem:$0x3FAE]  }
0x2e: {  	s3 =	simm.s32 @!p0 $0x1082;
	s9 =	sld [smem:$0x3FAF]  }
0x2f: {  	lr =	sadd.s32 s0, s3;
	s0 =	sld [smem:$0x3FA6]  }
0x30: {  	s3 =	sld [smem:$0x3FA9]  }
0x31: {  	[smem:$0x3FB2] =	sst s10  }
0x32: {  	s10 =	sld [smem:$0x3FB0];
	_ =	sdelay $0x3  }
0x33: {  	p0 =	seq.s32 s10, $0x1;
	s10 =	sld [smem:$0x3FB2];
	_ =	sdelay $0x3  }
0x34: {  	[smem:$0x3FB2] =	sst s10  }
0x35: {  	s10 =	sld [smem:$0x3FB1];
	_ =	sdelay $0x3  }
0x36: {  	p1 =	seq.s32 s10, $0x1;
	s10 =	sld [smem:$0x3FB2];
	_ =	sdelay $0x3  }
0x37: {  	[smem:$0x3FB2] =	sst s10  }
0x38: {  	s10 =	sld [smem:$0x3FB3]  }
0x39: {  	_ = 	snop;
	(pc) =	sbr.ind lr, $3  }
0x3a: {  	_ = 	snop  }
0x3b: {  	_ = 	snop  }
0x3c: {  	p2 =	seq.s32 s10, $0x1;
	s10 =	sld [smem:$0x3FB2]  }
0x3d: {  	_ =	shalt  }
0x3e: {  	_ =	shalt  }
0x3f: {  	_ =	shalt  }
0x40: {  	_ =	shalt  }
0x41: {  	_ =	shalt  }
0x42: {  	_ =	shalt  }
0x43: {  	_ =	shalt  }
0x44: {  	_ =	shalt  }
0x45: {  	_ =	shalt  }
0x46: {  	_ =	shalt  }
0x47: {  	_ =	shalt  }
0x48: {  	_ =	shalt  }
0x49: {  	_ =	shalt  }
0x4a: {  	_ =	shalt  }
0x4b: {  	_ =	shalt  }
0x4c: {  	_ =	shalt  }
0x4d: {  	_ =	shalt  }
0x4e: {  	_ =	shalt  }
0x4f: {  	_ =	shalt  }
0x50: {  	_ =	shalt  }
0x51: {  	_ =	shalt  }
0x52: {  	_ =	shalt  }
0x53: {  	_ =	shalt  }
0x54: {  	_ =	shalt  }
0x55: {  	_ =	shalt  }
0x56: {  	_ =	shalt  }
0x57: {  	_ =	shalt  }
0x58: {  	_ =	shalt  }
0x59: {  	_ =	shalt  }
0x5a: {  	_ =	shalt  }
0x5b: {  	_ =	shalt  }
0x5c: {  	_ =	shalt  }
0x5d: {  	_ =	shalt  }
0x5e: {  	_ =	shalt  }
0x5f: {  	_ =	shalt  }
0x60: {  	_ =	shalt  }
0x61: {  	_ =	shalt  }
0x62: {  	_ =	shalt  }
0x63: {  	_ =	shalt  }
0x64: {  	_ =	shalt  }
0x65: {  	_ =	shalt  }
0x66: {  	_ =	shalt  }
0x67: {  	_ =	shalt  }
0x68: {  	_ =	shalt  }
0x69: {  	_ =	shalt  }
0x6a: {  	_ =	shalt  }
0x6b: {  	_ =	shalt  }
0x6c: {  	_ =	shalt  }
0x6d: {  	_ =	shalt  }
0x6e: {  	_ =	shalt  }
0x6f: {  	_ =	shalt  }
0x70: {  	_ =	shalt  }
0x71: {  	_ =	shalt  }
0x72: {  	_ =	shalt  }
0x73: {  	_ =	shalt  }
0x74: {  	_ =	shalt  }
0x75: {  	_ =	shalt  }
0x76: {  	_ =	shalt  }
0x77: {  	_ =	shalt  }
0x78: {  	_ =	shalt  }
0x79: {  	_ =	shalt  }
0x7a: {  	_ =	shalt  }
0x7b: {  	_ =	shalt  }
0x7c: {  	_ =	shalt  }
0x7d: {  	_ =	shalt  }
0x7e: {  	_ =	shalt  }
0x7f: {  	_ =	shalt  }
0x80: {  	_ =	shalt  }
0x81: {  	_ =	shalt  }
0x82: {  	_ =	shalt  }
0x83: {  	_ =	shalt  }
0x84: {  	_ =	shalt  }
0x85: {  	_ =	shalt  }
0x86: {  	_ =	shalt  }
0x87: {  	_ =	shalt  }
.Lfunc_end0:
.L_simem_size_0:
called_computation.1_lowered:
.L_overlay_start_0:
0x88: {  	s2 =	sld [smem:$0x3FD9]  }
0x89: {  	s3 =	sld [smem:$0x3FFE];
	_ =	sdelay $0x1  }
0x8a: {  	s1 =	srdreg.scid  }
0x8b: {  	s0 =	sand.u32 $0x1, s1  }
0x8c: {  	s16 =	sshll.u32 s0, $0xA;
	s2 =	sadd.s32 s3, s2  }
0x8d: {  	s2 =	sadd.s32 s2, s16  }
0x8e: {  	[smem:$0x3FBE] =	sst s2  }
0x8f: {  	_ = 	snop  }
0x90: {  	(tm) =	ssettm $0x1  }
0x91: {  	s17 =	sld [smem:$0x3FFB];
	_ =	sdelay $0x3  }
0x92: {  	_ =	strace s17  }
0x93: {  	s2 =	sld [smem:$0x3FFC];
	_ =	sdelay $0x3  }
0x94: {  	_ =	strace s2  }
0x95: {  	s2 =	sld [smem:$0x3FFD];
	_ =	sdelay $0x3  }
0x96: {  	_ =	strace s2  }
0x97: {  	_ =	strace $0x8FFFFFFF  }
0x98: {  	s18 =	sld [smem:$0x3FDB];
	_ =	sdelay $0x1  }
0x99: {  	s19 =	simm.s32 $_scs_section_size  }
0x9a: {  	s4 =	simm.s32 $_size__tile_overlayer_lowered;
	s5 =	simm.s32 $_tile_overlayer_lowered  }
0x9b: {  	s22 =	simm.s32 $0x1BFF;
	s21 =	sshll.u32 s5, $0x1;
	s2 =	sadd.s32 s19, s18  }
0x9c: {  	s6 =	simm.s32 $0x0;
	s20 =	sshll.u32 s4, $0x1;
	s4 =	sadd.s32 s21, s2  }
0x9d: {  	[timem:s6], [sflag:s22] =	dma.local [hbm:s4], s20  }
0x9e: {  	_ =	swait.ge [sflag:s22], s20  }
0x9f: {  	s3 =	ssub.s32 $0x0, s20;
	[sflag:s22] =	ssyncset.done $0x0  }
0xa0: {  	[sflag:s22] =	ssyncadd.s32 s3;
	_ =	sdelay $0x1  }
0xa1: {  	s23 =	simm.s32 $0x1B8B  }
0xa2: {  	_ =	swait.ge [sflag:s23], $0x1  }
0xa3: {  	[sflag:s23] =	ssyncset.done $0x0  }
0xa4: {  	s25 =	simm.s32 $0x1B8E;
	s24 =	sld [smem:$0x3FFE];
	[sflag:s23] =	ssyncadd.s32 $0xFFFFFFFF  }
0xa5: {  	s26 =	simm.s32 $execute0_lowered;
	[smem:$0x3FD2] =	sst s25  }
0xa6: {  	s4 =	sshll.u32 s26, $0x1;
	_ =	strace $0x80000049;
	[dreg:$0x1] =	wrdreg $0xFFFFFFFF  }
0xa7: {  	s28 =	simm.s32 $_size_execute0_lowered;
	s2 =	sadd.s32 s2, s4;
	[dreg:$0x0] =	wrdreg $0x0  }
0xa8: {  	s4 =	sshll.u32 s28, $0x1;
	[dreg:$0x2] =	wrdreg s2  }
0xa9: {  	[dreg:$0x3] =	wrdreg s4  }
0xaa: {  	[dreg:$0x4] =	wrdreg $0xC0  }
0xab: {  	_ =	task [dreg:s6], $0x5FFFF  }
0xac: {  	[dreg:$0x1] =	wrdreg $0xFFFFFFFF  }
0xad: {  	[dreg:$0x0] =	wrdreg $0x60  }
0xae: {  	[dreg:$0x2] =	wrdreg s24  }
0xaf: {  	[dreg:$0x3] =	wrdreg $0x54000  }
0xb0: {  	[dreg:$0x4] =	wrdreg $0x9  }
0xb1: {  	_ =	task.clear_ibuf [dreg:s6], $0x5FFFF;
	_ =	strace $0x90000049  }
0xb2: {  	s29 =	simm.s32 $0x9;
	_ =	strace $0x8000004B  }
0xb3: {  	_ =	swait.ge [sflag:s29], $0x1  }
0xb4: {  	[sflag:s29] =	ssyncadd.s32 $0xFFFFFFFF  }
0xb5: {  	_ =	strace $0x9000004B  }
0xb6: {  	_ =	sfence  }
0xb7: {  	s30 =	sld [smem:$0x0];
	_ =	sdelay $0x2  }
0xb8: {  	s31 =	sshll.u32 s1, $0xD;
	s1 =	sshrl.u32 s1, $0x2  }
0xb9: {  	s3 =	sand.u32 $0x4000, s31;
	s1 =	sadd.s32 s1, s30  }
0xba: {  	s0 =	sor.u32 s3, s0;
	s1 =	sshll.u32 s1, $0x11  }
0xbb: {  	s0 =	sor.u32 s1, s0  }
0xbc: {  	s0 =	sadd.s32 $0x8F2B, s0  }
0xbd: {  	[sflag:s0] =	ssyncadd.remote.s32 $0x1  }
0xbe: {  	_ =	sfence.sel $0xFFFF  }
0xbf: {  	[dreg:$0x0] =	wrdreg $0xFFFFFFFF;
	(pc) =	sbr.abs _section_cstart, $3  }
0xc0: {  	[dreg:$0x1] =	wrdreg $0xFFFFFFFF  }
0xc1: {  	_ =	task.clear_ibuf [dreg:s6], $0x2FFFF;
	_ =	strace $0x9FFFFFFF  }
0xc2: {  	(tm) =	ssettm $0x7FFFFFFF  }
0xc3: {  	_ =	shalt  }
tec
execute0_lowered:
.L_overlay_start_1:
0x0: {  	(tag) =	ssettag $0x1  }
0x1: {  	s0 =	rddreg [dreg:$0x0]  }
0x2: {  	s1 =	rddreg [dreg:$0x1];
	s3 =	simm.s32 $0x0;
	s2 =	srdreg.scid  }
0x3: {  	s13 =	stileid.u32;
	s18 =	simm.s32 $0x2000;
	s19 =	simm.s32 $0x1  }
0x4: {  	s20 =	simm.s32 $0xC00;
	s21 =	simm.s32 $0x80;
	s22 =	simm.s32 $0x400  }
0x5: {  	s23 =	simm.s32 $0x1800;
	s24 =	simm.s32 $0x64;
	s7 =	smul.u32 $0x14000, s13  }
0x6: {  	s25 =	simm.s32 $0x0;
	[smem:$0x7FF] =	sst s3;
	s9 =	smul.u32 $0x50000, s13  }
0x7: {  	s2 =	sand.u32 $0x1, s2;
	s8 =	sshll.u32 s13, $0xB;
	s13 =	smul.u32 $0x3C00, s13  }
0x8: {  	s4 =	sadd.s32 $0xBC400, s0;
	s5 =	sadd.s32 $0x5CC00, s0;
	s6 =	smul.u32 $0x140000, s2  }
0x9: {  	_ =	strace $0x8000004A;
	s8 =	sadd.s32 s8, s0;
	s28 =	ssub.s32 $0x2, s2  }
0xa: {  	p0 =	seq.s32 s2, $0x1;
	s2 =	simm.s32 $0x1C00;
	s6 =	sadd.s32 s7, s6  }
0xb: {  	s10 =	sshrl.u32 s28, $0x1;
	s9 =	sshrl.u32 s9, $0x2;
	s6 =	sshrl.u32 s6, $0x3  }
0xc: {  	s14 =	sadd.s32 $0x64400, s8;
	s15 =	sadd.s32 s6, s0;
	s6 =	sadd.s32 s9, s1  }
0xd: {  	s2 =	simm.s32 @!p0 $0x29C00;
	s7 =	ssub.s32 s28, s10;
	s9 =	sadd.s32 $0x3200, s6  }
0xe: {  	s17 =	sadd.s32 s2, s0;
	s29 =	sadd.s32 $0x6400, s6;
	[dreg:$0x3] =	wrdreg s9  }
0xf: {  	s16 =	smax.u32 s7, $0x1;
	s30 =	sadd.s32 $0x9600, s6;
	[dreg:$0x4] =	wrdreg s29  }
0x10: {  	s31 =	sadd.s32 $0xC800, s6;
	s11 =	sadd.s32 $0xFA00, s6;
	[dreg:$0x5] =	wrdreg s30  }
0x11: {  	v0 =	vimm.f32 $0.0e+00;
	s12 =	sadd.s32 $0x12C00, s6;
	s15 =	sadd.s32 $0xC3C00, s15;
	[dreg:$0x6] =	wrdreg s31  }
.LBB2_1:
0x12: {  	s0 =	simm.s32 $0x0;
	s2 =	simm.s32 $0x200  }
.LBB2_2:
0x13: {  	p0 =	sne.s32 s2, $0xC600;
	[tilespmem:s0+$0x2070] =	vst v0  }
0x14: {  	[tilespmem:s0+$0x2000] =	vst v0  }
0x15: {  	[tilespmem:s0+$0x2010] =	vst v0  }
.Ltmp0:
0x16: {  	[tilespmem:s0+$0x2020] =	vst v0;
	(pc) =	sbr.rel @p0 .LBB2_2-.Ltmp0, $4  }
0x17: {  	[tilespmem:s0+$0x2030] =	vst v0  }
0x18: {  	[tilespmem:s0+$0x2040] =	vst v0  }
0x19: {  	[tilespmem:s0+$0x2050] =	vst v0  }
0x1a: {  	[tilespmem:s0+$0x2060] =	vst v0;
	s0 =	sshra.s32 s2, $0x2;
	s2 =	sadd.s32 $0x200, s2  }
0x1b: {  	[tilespmem:s0+$0x2070] =	vst v0  }
0x1c: {  	[tilespmem:s0+$0x2000] =	vst v0  }
0x1d: {  	[tilespmem:s0+$0x2010] =	vst v0  }
0x1e: {  	[tilespmem:s0+$0x2020] =	vst v0  }
0x1f: {  	[tilespmem:s0+$0x2030] =	vst v0  }
0x20: {  	[tilespmem:s0+$0x2040] =	vst v0  }
0x21: {  	[tilespmem:s0+$0x2050] =	vst v0  }
0x22: {  	[tilespmem:s0+$0x2060] =	vst v0  }
0x23: {  	[spmem:s6] =	stream.linear.scatter [tilespmem:s18], [sflag:$0x1], $0x3200, $0x38;
	[tilespmem:$0x19400] =	vst v63  }
0x24: {  	_ =	swait.ge [sflag:s19], $0x3200  }
0x25: {  	[sflag:s19] =	ssyncset.done $0x0  }
0x26: {  	s28 =	rddreg [dreg:$0x3];
	[sflag:s19] =	ssyncadd.s32 $0xFFFFCE00  }
0x27: {  	[spmem:s28] =	stream.linear.scatter [tilespmem:s18], [sflag:$0x1], $0x3200, $0x38;
	[tilespmem:$0x19400] =	vst v63  }
0x28: {  	_ =	swait.ge [sflag:s19], $0x3200  }
0x29: {  	[sflag:s19] =	ssyncset.done $0x0  }
0x2a: {  	s29 =	rddreg [dreg:$0x4];
	[sflag:s19] =	ssyncadd.s32 $0xFFFFCE00  }
0x2b: {  	[spmem:s29] =	stream.linear.scatter [tilespmem:s18], [sflag:$0x1], $0x3200, $0x38;
	[tilespmem:$0x19400] =	vst v63  }
0x2c: {  	_ =	swait.ge [sflag:s19], $0x3200  }
0x2d: {  	[sflag:s19] =	ssyncset.done $0x0  }
0x2e: {  	s30 =	rddreg [dreg:$0x5];
	[sflag:s19] =	ssyncadd.s32 $0xFFFFCE00  }
0x2f: {  	[spmem:s30] =	stream.linear.scatter [tilespmem:s18], [sflag:$0x1], $0x3200, $0x38;
	[tilespmem:$0x19400] =	vst v63  }
0x30: {  	_ =	swait.ge [sflag:s19], $0x3200  }
0x31: {  	[sflag:s19] =	ssyncset.done $0x0  }
0x32: {  	s31 =	rddreg [dreg:$0x6];
	[sflag:s19] =	ssyncadd.s32 $0xFFFFCE00  }
0x33: {  	[spmem:s31] =	stream.linear.scatter [tilespmem:s18], [sflag:$0x1], $0x3200, $0x38;
	[tilespmem:$0x19400] =	vst v63  }
0x34: {  	_ =	swait.ge [sflag:s19], $0x3200  }
0x35: {  	[sflag:s19] =	ssyncset.done $0x0  }
0x36: {  	[sflag:s19] =	ssyncadd.s32 $0xFFFFCE00  }
0x37: {  	[spmem:s11] =	stream.linear.scatter [tilespmem:s18], [sflag:$0x1], $0x3200, $0x38;
	[tilespmem:$0x19400] =	vst v63  }
0x38: {  	_ =	swait.ge [sflag:s19], $0x3200  }
0x39: {  	[sflag:s19] =	ssyncset.done $0x0  }
0x3a: {  	[sflag:s19] =	ssyncadd.s32 $0xFFFFCE00  }
0x3b: {  	[spmem:s12] =	stream.linear.scatter [tilespmem:s18], [sflag:$0x1], $0x1400, $0x38;
	[tilespmem:$0x19400] =	vst v63  }
0x3c: {  	_ =	swait.ge [sflag:s19], $0x1400  }
0x3d: {  	[sflag:s19] =	ssyncset.done $0x0  }
0x3e: {  	[sflag:s19] =	ssyncadd.s32 $0xFFFFEC00  }
0x3f: {  	s26 =	simm.s32 $0x0;
	[bflag:$0x0] =	sbarrier.arrive $0xFFFF  }
.LBB2_4:
0x40: {  	s0 =	smul.u32 $0xC00, s26;
	_ =	sdelay $0x1  }
0x41: {  	s0 =	sadd.s32 s13, s0  }
0x42: {  	s0 =	sshrl.u32 s0, $0x3  }
0x43: {  	s2 =	sadd.s32 s4, s0  }
0x44: {  	[tilespmem:s25], [sflag:$0x1] =	stream.linear.gather [hbm4b:s2+s25], $0xA00, $0x38;
	[tilespmem:$0x19400] =	vst v63  }
0x45: {  	_ =	swait.ge [sflag:s19], $0xA00  }
0x46: {  	[sflag:s19] =	ssyncset.done $0x0  }
0x47: {  	s0 =	sadd.s32 s5, s0;
	[sflag:s19] =	ssyncadd.s32 $0xFFFFF600  }
0x48: {  	[tilespmem:s20], [sflag:$0x1] =	stream.linear.gather [hbm4b:s0+s25], $0xA00, $0x38;
	[tilespmem:$0x19400] =	vst v63  }
0x49: {  	_ =	swait.ge [sflag:s19], $0xA00  }
0x4a: {  	s31 =	sshll.u32 s26, $0x4;
	[sflag:s19] =	ssyncset.done $0x0  }
0x4b: {  	s0 =	sadd.s32 s31, s14;
	[sflag:s19] =	ssyncadd.s32 $0xFFFFF600  }
0x4c: {  	[tilespmem:s23], [sflag:$0x1] =	stream.strided.gather [hbm4b:s0+s21], $0x800, s22, s21, $0x38;
	[tilespmem:$0x19400] =	vst v63  }
0x4d: {  	_ =	swait.ge [sflag:s19], $0x800  }
0x4e: {  	[sflag:s19] =	ssyncset.done $0x0  }
0x4f: {  	s28 =	simm.s32 $0x0;
	s29 =	simm.s32 $0x0;
	[sflag:s19] =	ssyncadd.s32 $0xFFFFF800  }
.LBB2_5:
0x50: {  	s0 =	sshll.u32 s29, $0x9;
	s2 =	sadd.s32 $0xFFFFFFFB, s28  }
0x51: {  	s30 =	sshrl.u32 s0, $0x2;
	s8 =	sadd.s32 $0x5, s2  }
0x52: {  	[tilespmem:s18], [sflag:$0x1] =	stream.indirect.gather [hbm4b:s17+s24], $0x80, s30, s24, $0xb8;
	v1 =	vmov s8;
	[tilespmem:$0x19400] =	vst v63  }
0x53: {  	_ =	swait.ge [sflag:s19], $0x3200  }
0x54: {  	[sflag:s19] =	ssyncset.done $0x0  }
0x55: {  	s31 =	simm.s32 $0x2140;
	[sflag:s19] =	ssyncadd.s32 $0xFFFFCE00  }
0x56: {  	v3 =	vld [tilespmem:s31+$0xFFFFFF30]  }
0x57: {  	v1 =	vld.idx.msk [tilespmem:v1+s23+$0x0], $0xffff  }
0x58: {  	v4 =	vld [tilespmem:s31+$0xFFFFFEC0]  }
0x59: {  	v5 =	vld [tilespmem:s31+$0xFFFFFEE0]  }
0x5a: {  	v6 =	vld [tilespmem:s31+$0xFFFFFEF0]  }
0x5b: {  	v2 =	vld [tilespmem:s31+$0xFFFFFF10]  }
0x5c: {  	v8 =	vld [tilespmem:s31+$0xFFFFFED0];
	v3 =	vmul.f32 v3, v1  }
0x5d: {  	v7 =	vld [tilespmem:s31+$0xFFFFFF20];
	v4 =	vmul.f32 v4, v1  }
0x5e: {  	v9 =	vld [tilespmem:s31+$0xFFFFFF00];
	v5 =	vmul.f32 v5, v1;
	[tilespmem:s31+$0xFFFFFF30] =	vst v3  }
0x5f: {  	v3 =	vmul.f32 v6, v1;
	[tilespmem:s31+$0xFFFFFEC0] =	vst v4  }
0x60: {  	s9 =	sadd.s32 $0x6, s2;
	v2 =	vmul.f32 v2, v1;
	[tilespmem:s31+$0xFFFFFEE0] =	vst v5  }
0x61: {  	v4 =	vmul.f32 v8, v1;
	[tilespmem:s31+$0xFFFFFEF0] =	vst v3;
	v3 =	vmov s9  }
0x62: {  	v5 =	vmul.f32 v7, v1;
	[tilespmem:s31+$0xFFFFFF10] =	vst v2  }
0x63: {  	v1 =	vmul.f32 v9, v1;
	[tilespmem:s31+$0xFFFFFED0] =	vst v4  }
0x64: {  	[tilespmem:s31+$0xFFFFFF20] =	vst v5  }
0x65: {  	v2 =	vld [tilespmem:s31+$0xFFFFFF40];
	[tilespmem:s31+$0xFFFFFF00] =	vst v1  }
0x66: {  	v1 =	vld.idx.msk [tilespmem:v3+s23+$0x0], $0xffff  }
0x67: {  	v3 =	vld [tilespmem:s31+$0xFFFFFF60]  }
0x68: {  	v4 =	vld [tilespmem:s31+$0xFFFFFF90]  }
0x69: {  	v5 =	vld [tilespmem:s31+$0xFFFFFF80]  }
0x6a: {  	v6 =	vld [tilespmem:s31+$0xFFFFFF50]  }
0x6b: {  	v60 =	vld [tilespmem:s31+$0xFFFFFFB0];
	v2 =	vmul.f32 v2, v1  }
0x6c: {  	v7 =	vld [tilespmem:s31+$0xFFFFFF70];
	v3 =	vmul.f32 v3, v1  }
0x6d: {  	v61 =	vld [tilespmem:s31+$0xFFFFFFA0];
	[tilespmem:s31+$0xFFFFFF40] =	vst v2;
	v2 =	vmul.f32 v4, v1  }
0x6e: {  	v4 =	vmul.f32 v5, v1;
	[tilespmem:s31+$0xFFFFFF60] =	vst v3  }
0x6f: {  	s10 =	sadd.s32 $0x7, s2;
	v3 =	vmul.f32 v6, v1;
	[tilespmem:s31+$0xFFFFFF90] =	vst v2  }
0x70: {  	v5 =	vmul.f32 v60, v1;
	[tilespmem:s31+$0xFFFFFF80] =	vst v4;
	v4 =	vmov s10  }
0x71: {  	v2 =	vmul.f32 v7, v1;
	[tilespmem:s31+$0xFFFFFF50] =	vst v3  }
0x72: {  	v62 =	vld [tilespmem:s31+$0x0];
	v1 =	vmul.f32 v61, v1;
	[tilespmem:s31+$0xFFFFFFB0] =	vst v5  }
0x73: {  	v63 =	vld [tilespmem:s31+$0x30];
	[tilespmem:s31+$0xFFFFFF70] =	vst v2  }
0x74: {  	[tilespmem:s31+$0xFFFFFFA0] =	vst v1;
	v1 =	vld [tilespmem:s31+$0xFFFFFFC0]  }
0x75: {  	v6 =	vld.idx.msk [tilespmem:v4+s23+$0x0], $0xffff  }
0x76: {  	v4 =	vld [tilespmem:s31+$0xFFFFFFF0]  }
0x77: {  	v5 =	vld [tilespmem:s31+$0xFFFFFFE0]  }
0x78: {  	v7 =	vld [tilespmem:s31+$0xFFFFFFD0]  }
0x79: {  	v3 =	vld [tilespmem:s31+$0x10]  }
0x7a: {  	v2 =	vld [tilespmem:s31+$0x20];
	v1 =	vmul.f32 v1, v6  }
0x7b: {  	v4 =	vmul.f32 v4, v6  }
0x7c: {  	v10 =	vmul.f32 v5, v6;
	[tilespmem:s31+$0xFFFFFFC0] =	vst v1  }
0x7d: {  	v7 =	vmul.f32 v7, v6;
	[tilespmem:s31+$0xFFFFFFF0] =	vst v4  }
0x7e: {  	s8 =	sadd.s32 $0x8, s2;
	v5 =	vmul.f32 v3, v6;
	v3 =	vmul.f32 v63, v6;
	[tilespmem:s31+$0xFFFFFFE0] =	vst v10  }
0x7f: {  	s0 =	simm.s32 $0x0;
	s7 =	sadd.s32 $0x9, s2;
	s2 =	simm.s32 $0x2140;
	v1 =	vmul.f32 v62, v6;
	v4 =	vmul.f32 v2, v6;
	[tilespmem:s31+$0xFFFFFFD0] =	vst v7;
	v2 =	vmov s8  }
.LBB2_6:
0x80: {  	[tilespmem:s31+$0x10] =	vst v5;
	v5 =	vld [tilespmem:s31+$0xB0];
	s2 =	sadd.s32 $0x280, s2;
	s8 =	smov.u32 s0;
	s0 =	sadd.s32 $0x5, s0  }
0x81: {  	p0 =	slt.u32 s0, $0x5F;
	[tilespmem:s31+$0x20] =	vst v4;
	v4 =	vld [tilespmem:s31+$0x80]  }
0x82: {  	[tilespmem:s31+$0x30] =	vst v3;
	v3 =	vld [tilespmem:s31+$0x70]  }
0x83: {  	[tilespmem:s31+$0x0] =	vst v1;
	v1 =	vld [tilespmem:s31+$0x50]  }
0x84: {  	v2 =	vld.idx.msk [tilespmem:v2+s23+$0x0], $0xffff  }
0x85: {  	v6 =	vld [tilespmem:s31+$0x40]  }
0x86: {  	v7 =	vld [tilespmem:s31+$0x60]  }
0x87: {  	v8 =	vld [tilespmem:s31+$0x90]  }
0x88: {  	v9 =	vld [tilespmem:s31+$0xA0];
	_ =	sdelay $0x1  }
0x89: {  	v1 =	vmul.f32 v1, v2;
	v6 =	vmul.f32 v6, v2  }
0x8a: {  	v3 =	vmul.f32 v3, v2;
	v7 =	vmul.f32 v7, v2  }
0x8b: {  	[tilespmem:s31+$0x50] =	vst v1;
	v1 =	vmul.f32 v4, v2;
	v4 =	vmul.f32 v8, v2  }
0x8c: {  	[tilespmem:s31+$0x70] =	vst v3;
	v3 =	vmul.f32 v9, v2;
	v2 =	vmul.f32 v5, v2  }
0x8d: {  	[tilespmem:s31+$0x80] =	vst v1  }
0x8e: {  	v1 =	vmov s7;
	[tilespmem:s31+$0x90] =	vst v4  }
0x8f: {  	[tilespmem:s31+$0xB0] =	vst v2;
	v2 =	vld [tilespmem:s31+$0xC0]  }
0x90: {  	[tilespmem:s31+$0x60] =	vst v7;
	v4 =	vld [tilespmem:s31+$0x130]  }
0x91: {  	[tilespmem:s31+$0x40] =	vst v6;
	v5 =	vld [tilespmem:s31+$0xD0]  }
0x92: {  	[tilespmem:s31+$0xA0] =	vst v3;
	v3 =	vld [tilespmem:s31+$0x110]  }
0x93: {  	v1 =	vld.idx.msk [tilespmem:v1+s23+$0x0], $0xffff  }
0x94: {  	v6 =	vld [tilespmem:s31+$0xE0]  }
0x95: {  	v7 =	vld [tilespmem:s31+$0xF0]  }
0x96: {  	v8 =	vld [tilespmem:s31+$0x100]  }
0x97: {  	v9 =	vld [tilespmem:s31+$0x120];
	_ =	sdelay $0x1  }
0x98: {  	v2 =	vmul.f32 v2, v1;
	v5 =	vmul.f32 v5, v1  }
0x99: {  	v6 =	vmul.f32 v6, v1;
	v7 =	vmul.f32 v7, v1  }
0x9a: {  	v3 =	vmul.f32 v3, v1;
	[tilespmem:s31+$0xC0] =	vst v2;
	v2 =	vmul.f32 v8, v1  }
0x9b: {  	s7 =	sadd.s32 s8, s28;
	[tilespmem:s31+$0xD0] =	vst v5;
	v5 =	vmul.f32 v9, v1;
	v1 =	vmul.f32 v4, v1  }
0x9c: {  	s8 =	sadd.s32 $0x5, s7;
	s10 =	sadd.s32 $0x6, s7;
	s9 =	sadd.s32 $0x7, s7;
	[tilespmem:s31+$0x100] =	vst v2  }
0x9d: {  	v2 =	vmov s8;
	s8 =	sadd.s32 $0x8, s7;
	s7 =	sadd.s32 $0x9, s7;
	[tilespmem:s31+$0x110] =	vst v3  }
0x9e: {  	v3 =	vld [tilespmem:s2+$0xFFFFFF10];
	[tilespmem:s31+$0x120] =	vst v5  }
0x9f: {  	v4 =	vld [tilespmem:s2+$0xFFFFFEF0];
	[tilespmem:s31+$0x130] =	vst v1  }
0xa0: {  	v1 =	vld [tilespmem:s2+$0xFFFFFF20];
	[tilespmem:s31+$0xE0] =	vst v6  }
0xa1: {  	v5 =	vld [tilespmem:s2+$0xFFFFFF30];
	[tilespmem:s31+$0xF0] =	vst v7;
	s31 =	smov.u32 s2  }
0xa2: {  	v2 =	vld.idx.msk [tilespmem:v2+s23+$0x0], $0xffff  }
0xa3: {  	v6 =	vld [tilespmem:s2+$0xFFFFFEC0]  }
0xa4: {  	v7 =	vld [tilespmem:s2+$0xFFFFFEE0]  }
0xa5: {  	v8 =	vld [tilespmem:s2+$0xFFFFFED0]  }
0xa6: {  	v9 =	vld [tilespmem:s2+$0xFFFFFF00];
	_ =	sdelay $0x1  }
0xa7: {  	v5 =	vmul.f32 v5, v2;
	v6 =	vmul.f32 v6, v2  }
0xa8: {  	v1 =	vmul.f32 v1, v2;
	v7 =	vmul.f32 v7, v2  }
0xa9: {  	v4 =	vmul.f32 v4, v2;
	v8 =	vmul.f32 v8, v2;
	[tilespmem:s2+$0xFFFFFF30] =	vst v5  }
0xaa: {  	[tilespmem:s2+$0xFFFFFEC0] =	vst v6;
	v5 =	vmul.f32 v9, v2;
	v2 =	vmul.f32 v3, v2  }
0xab: {  	[tilespmem:s2+$0xFFFFFEE0] =	vst v7  }
0xac: {  	v3 =	vmov s10;
	[tilespmem:s2+$0xFFFFFEF0] =	vst v4  }
0xad: {  	[tilespmem:s2+$0xFFFFFF10] =	vst v2;
	v2 =	vld [tilespmem:s2+$0xFFFFFFB0]  }
0xae: {  	[tilespmem:s2+$0xFFFFFED0] =	vst v8;
	v4 =	vld [tilespmem:s2+$0xFFFFFF90]  }
0xaf: {  	[tilespmem:s2+$0xFFFFFF20] =	vst v1;
	v1 =	vld [tilespmem:s2+$0xFFFFFF70]  }
0xb0: {  	[tilespmem:s2+$0xFFFFFF00] =	vst v5;
	v5 =	vld [tilespmem:s2+$0xFFFFFF50]  }
0xb1: {  	v3 =	vld.idx.msk [tilespmem:v3+s23+$0x0], $0xffff  }
0xb2: {  	v6 =	vld [tilespmem:s2+$0xFFFFFF40]  }
0xb3: {  	v7 =	vld [tilespmem:s2+$0xFFFFFF60]  }
0xb4: {  	v8 =	vld [tilespmem:s2+$0xFFFFFF80]  }
0xb5: {  	v9 =	vld [tilespmem:s2+$0xFFFFFFA0];
	_ =	sdelay $0x1  }
0xb6: {  	v5 =	vmul.f32 v5, v3;
	v6 =	vmul.f32 v6, v3  }
0xb7: {  	v1 =	vmul.f32 v1, v3;
	v7 =	vmul.f32 v7, v3  }
0xb8: {  	v4 =	vmul.f32 v4, v3;
	[tilespmem:s2+$0xFFFFFF40] =	vst v6;
	v6 =	vmul.f32 v8, v3  }
0xb9: {  	v2 =	vmul.f32 v2, v3;
	[tilespmem:s2+$0xFFFFFF60] =	vst v7;
	v7 =	vmul.f32 v9, v3  }
0xba: {  	[tilespmem:s2+$0xFFFFFF90] =	vst v4  }
0xbb: {  	v3 =	vmov s9;
	[tilespmem:s2+$0xFFFFFF80] =	vst v6  }
0xbc: {  	[tilespmem:s2+$0xFFFFFF50] =	vst v5;
	v4 =	vld [tilespmem:s2+$0x20]  }
0xbd: {  	[tilespmem:s2+$0xFFFFFF70] =	vst v1;
	v5 =	vld [tilespmem:s2+$0x10]  }
0xbe: {  	[tilespmem:s2+$0xFFFFFFB0] =	vst v2;
	v1 =	vld [tilespmem:s2+$0xFFFFFFF0]  }
0xbf: {  	[tilespmem:s2+$0xFFFFFFA0] =	vst v7;
	v2 =	vld [tilespmem:s2+$0xFFFFFFD0]  }
0xc0: {  	v3 =	vld.idx.msk [tilespmem:v3+s23+$0x0], $0xffff  }
0xc1: {  	v6 =	vld [tilespmem:s2+$0xFFFFFFC0]  }
0xc2: {  	v7 =	vld [tilespmem:s2+$0xFFFFFFE0]  }
0xc3: {  	v8 =	vld [tilespmem:s2+$0x0]  }
0xc4: {  	v9 =	vld [tilespmem:s2+$0x30];
	_ =	sdelay $0x1  }
0xc5: {  	v2 =	vmul.f32 v2, v3;
	v6 =	vmul.f32 v6, v3  }
.Ltmp1:
0xc6: {  	v10 =	vmul.f32 v1, v3;
	v7 =	vmul.f32 v7, v3;
	(pc) =	sbr.rel @p0 .LBB2_6-.Ltmp1, $4  }
0xc7: {  	v5 =	vmul.f32 v5, v3;
	[tilespmem:s2+$0xFFFFFFC0] =	vst v6;
	v1 =	vmul.f32 v8, v3  }
0xc8: {  	v4 =	vmul.f32 v4, v3;
	[tilespmem:s2+$0xFFFFFFF0] =	vst v10;
	v3 =	vmul.f32 v9, v3  }
0xc9: {  	[tilespmem:s2+$0xFFFFFFE0] =	vst v7  }
0xca: {  	[tilespmem:s2+$0xFFFFFFD0] =	vst v2;
	v2 =	vmov s8  }
0xcb: {  	[tilespmem:s31+$0x10] =	vst v5  }
0xcc: {  	[tilespmem:s31+$0x20] =	vst v4  }
0xcd: {  	[tilespmem:s31+$0x30] =	vst v3  }
0xce: {  	[tilespmem:s31+$0x0] =	vst v1;
	v1 =	vld [tilespmem:s31+$0x50]  }
0xcf: {  	v2 =	vld.idx.msk [tilespmem:v2+s23+$0x0], $0xffff  }
0xd0: {  	v3 =	vld [tilespmem:s31+$0x70]  }
0xd1: {  	v52 =	vld [tilespmem:s31+$0x90]  }
0xd2: {  	v8 =	vld [tilespmem:s31+$0x40]  }
0xd3: {  	v51 =	vld [tilespmem:s31+$0x80]  }
0xd4: {  	v6 =	vld [tilespmem:s31+$0xB0];
	v1 =	vmul.f32 v1, v2  }
0xd5: {  	v7 =	vld [tilespmem:s31+$0x60];
	v3 =	vmul.f32 v3, v2  }
0xd6: {  	v9 =	vld [tilespmem:s31+$0xA0];
	v53 =	vmul.f32 v52, v2;
	[tilespmem:s31+$0x50] =	vst v1  }
0xd7: {  	v55 =	vmul.f32 v8, v2;
	[tilespmem:s31+$0x70] =	vst v3  }
0xd8: {  	v1 =	vmul.f32 v51, v2;
	[tilespmem:s31+$0x90] =	vst v53  }
0xd9: {  	v54 =	vmov s7;
	v3 =	vmul.f32 v6, v2;
	[tilespmem:s31+$0x40] =	vst v55  }
0xda: {  	[tilespmem:s31+$0x80] =	vst v1;
	v1 =	vmul.f32 v7, v2  }
0xdb: {  	[tilespmem:s31+$0xB0] =	vst v3;
	v2 =	vmul.f32 v9, v2  }
0xdc: {  	[tilespmem:s31+$0x60] =	vst v1  }
0xdd: {  	v3 =	vld [tilespmem:s31+$0xC0];
	[tilespmem:s31+$0xA0] =	vst v2  }
0xde: {  	v2 =	vld.idx.msk [tilespmem:v54+s23+$0x0], $0xffff  }
0xdf: {  	v1 =	vld [tilespmem:s31+$0xD0]  }
0xe0: {  	v58 =	vld [tilespmem:s31+$0x110]  }
0xe1: {  	v60 =	vld [tilespmem:s31+$0xE0]  }
0xe2: {  	v57 =	vld [tilespmem:s31+$0x100]  }
0xe3: {  	v59 =	vld [tilespmem:s31+$0x120];
	v3 =	vmul.f32 v3, v2  }
0xe4: {  	v56 =	vld [tilespmem:s31+$0x130];
	v1 =	vmul.f32 v1, v2  }
0xe5: {  	v61 =	vld [tilespmem:s31+$0xF0];
	v62 =	vmul.f32 v58, v2;
	[tilespmem:s31+$0xC0] =	vst v3  }
0xe6: {  	v63 =	vmul.f32 v60, v2;
	[tilespmem:s31+$0xD0] =	vst v1  }
0xe7: {  	v3 =	vmul.f32 v57, v2;
	[tilespmem:s31+$0x110] =	vst v62  }
0xe8: {  	v1 =	vmul.f32 v59, v2;
	[tilespmem:s31+$0xE0] =	vst v63  }
0xe9: {  	[tilespmem:s31+$0x100] =	vst v3;
	v3 =	vmul.f32 v56, v2  }
0xea: {  	s29 =	sadd.s32 $0x1, s29;
	[tilespmem:s31+$0x120] =	vst v1;
	v1 =	vmul.f32 v61, v2  }
0xeb: {  	p0 =	sne.s32 s29, $0x14;
	[tilespmem:s31+$0x130] =	vst v3  }
.Ltmp2:
0xec: {  	s0 =	sadd.s32 $0xC00, s30;
	[tilespmem:s31+$0xF0] =	vst v1;
	(pc) =	sbr.rel @p0 .LBB2_5-.Ltmp2, $4  }
0xed: {  	[spmem:s1] =	stream.indirect.scatter.add.f32 [tilespmem:s18], [sflag:$0x1], $0x80, s0, s24, $0xb8;
	[tilespmem:$0x19400] =	vst v63  }
0xee: {  	_ =	swait.ge [sflag:s19], $0x3200  }
0xef: {  	[sflag:s19] =	ssyncset.done $0x0  }
0xf0: {  	s28 =	sadd.s32 $0x64, s28;
	[sflag:s19] =	ssyncadd.s32 $0xFFFFCE00  }
0xf1: {  	s26 =	sadd.s32 $0x1, s26  }
0xf2: {  	p0 =	sne.s32 s26, $0x5  }
.Ltmp3:
0xf3: {  	_ = 	snop;
	(pc) =	sbr.rel @p0 .LBB2_4-.Ltmp3, $1  }
0xf4: {  	_ =	sdelay $0x3  }
0xf5: {  	s0 =	stileid.u32;
	s3 =	sadd.s32 $0x1, s3  }
0xf6: {  	[bflag:$0x0] =	sbarrier.arrive $0xFFFF;
	s0 =	sshll.u32 s0, $0x6;
	p0 =	sne.s32 s3, s16  }
.Ltmp4:
0xf7: {  	s2 =	sshrl.u32 s6, $0x3;
	s0 =	sor.u32 $0x1C01, s0;
	(pc) =	sbr.rel @p0 .LBB2_1-.Ltmp4, $4  }
0xf8: {  	[hbm:s15], [sflag:s0] =	dma.local [spmem:s2], $0x2800  }
0xf9: {  	_ =	swait.ge [sflag:s19], $0x2800  }
0xfa: {  	[sflag:s19] =	ssyncset.done $0x0  }
0xfb: {  	[sflag:s19] =	ssyncadd.s32 $0xFFFFD800  }
0xfc: {  	_ =	sfence.sel $0x180000  }
0xfd: {  	[bflag:$0x0] =	sbarrier.arrive $0xFFFF  }
0xfe: {  	_ =	strace $0x9000004A  }
0xff: {  	s0 =	stileid.u32;
	[bflag:$0x2] =	sbarrier.arrive $0xFFFF  }
0x100: {  	p0 =	sne.s32 s0, $0x0;
	s0 =	rddreg [dreg:$0x2]  }
0x101: {  	s0 =	sadd.s32 @!p0 $0x100000, s0  }
0x102: {  	[sflag:s0] =	ssyncadd.tile.s32 @!p0 $0x1;
	_ =	shalt  }
.Lfunc_end2:
_tile_overlayer_lowered:
.L_overlay_start_2:
0x103: {  	(tag) =	ssettag $0x2  }
0x104: {  	s0 =	rddreg [dreg:$0x0];
	s2 =	stileid.u32  }
0x105: {  	s1 =	rddreg [dreg:$0x1];
	p0 =	sne.s32 s2, $0x0  }
0x106: {  	s3 =	rddreg [dreg:$0x2];
	[bflag:$0x3] =	sbarrier.arrive $0xFFFF;
	s2 =	simm.s32 @!p0 $0x1C01  }
0x107: {  	[timem:s3], [sflag:s2] =	dma.local @!p0 [hbm:s0], s1  }
0x108: {  	s0 =	simm.s32 @!p0 $0x1  }
0x109: {  	_ =	swait.ge @!p0 [sflag:s0], s1  }
0x10a: {  	s1 =	ssub.s32 @!p0 $0x0, s1;
	[sflag:s0] =	ssyncset.done @!p0 $0x0  }
0x10b: {  	[sflag:s0] =	ssyncadd.s32 @!p0 s1  }
0x10c: {  	[bflag:$0x3] =	sbarrier.arrive $0xFFFF  }
0x10d: {  	_ =	shalt  }

</sc_bundles>
